<compile_context>
chip_gen: v7x
topology: tpu7x:2x2x1
jax: 0.10.2.dev20260603
libtpu: 0.0.44.dev20260713+nightly
codegen_flags: <defaults>
</compile_context>

<pallas_src>
import jax
import jax.numpy as jnp
from jax import lax
from jax.experimental import pallas as pl
from jax.experimental.pallas import tpu as pltpu
from jax.experimental.pallas import tpu_sc as plsc

B = 16384
D = 64
L = 16
NC = 2
NS = 16
NW = NC * NS
BPW = B // NW
C = 128
NCHUNK = BPW // C
NGRP = D // L


def _sc_body(h_hbm, t_hbm, r_hbm,
             ent_hbm, rel_hbm,
             out_hbm,
             hv, tv, rv, eh, et, rlc, resc, sem):
    wid = lax.axis_index("s") * NC + lax.axis_index("c")

    for chunk in range(NCHUNK):
        base = wid * BPW + chunk * C
        pltpu.sync_copy(h_hbm.at[pl.ds(base, C)], hv)
        pltpu.sync_copy(t_hbm.at[pl.ds(base, C)], tv)
        pltpu.sync_copy(r_hbm.at[pl.ds(base, C)], rv)

        cps = (
            pltpu.make_async_copy(ent_hbm.at[hv], eh, sem),
            pltpu.make_async_copy(ent_hbm.at[tv], et, sem),
            pltpu.make_async_copy(rel_hbm.at[rv], rlc, sem),
        )
        for cp in cps:
            cp.start()
        for cp in cps:
            cp.wait()

        def e_body(e, carry):
            acc = jnp.zeros((L,), jnp.float32)
            for g in range(NGRP):
                a1 = eh[e, pl.ds(g * L, L)]
                a2 = eh[e, pl.ds(D + g * L, L)]
                b1 = et[e, pl.ds(g * L, L)]
                b2 = et[e, pl.ds(D + g * L, L)]
                q1 = rlc[e, pl.ds(g * L, L)]
                q2 = rlc[e, pl.ds(D + g * L, L)]
                acc = acc + q1 * (a1 * b1 + a2 * b2) + q2 * (a1 * b2 - a2 * b1)
            resc[e, :] = acc
            return carry

        lax.fori_loop(0, C, e_body, 0)
        pltpu.sync_copy(resc, out_hbm.at[pl.ds(base, C)])


def _make_sc_kernel():
    mesh = plsc.VectorSubcoreMesh(core_axis_name="c", subcore_axis_name="s")
    return pl.kernel(
        _sc_body,
        out_type=jax.ShapeDtypeStruct((B, L), jnp.float32),
        mesh=mesh,
        compiler_params=pltpu.CompilerParams(use_tc_tiling_on_sc=True),
        scratch_types=[
            pltpu.VMEM((C,), jnp.int32),
            pltpu.VMEM((C,), jnp.int32),
            pltpu.VMEM((C,), jnp.int32),
            pltpu.VMEM((C, 2 * D), jnp.float32),
            pltpu.VMEM((C, 2 * D), jnp.float32),
            pltpu.VMEM((C, 2 * D), jnp.float32),
            pltpu.VMEM((C, L), jnp.float32),
            pltpu.SemaphoreType.DMA,
        ],
    )


def _loss_body(res_ref, y_ref, out_ref):
    s = jnp.sum(res_ref[...], axis=2)
    out_ref[0, 0] = jnp.mean(jax.nn.softplus(-y_ref[...] * s))


@jax.jit
def kernel(h, t, r, y, ent1, ent2, rel1, rel2):
    h = h.astype(jnp.int32)
    t = t.astype(jnp.int32)
    r = r.astype(jnp.int32)
    entv = jnp.concatenate([ent1, ent2], axis=1)
    relv = jnp.concatenate([rel1, rel2], axis=1)
    partial = _make_sc_kernel()(h, t, r, entv, relv)
    loss = pl.pallas_call(
        _loss_body,
        out_shape=jax.ShapeDtypeStruct((1, 1), jnp.float32),
        out_specs=pl.BlockSpec(memory_space=pltpu.SMEM),
    )(partial.reshape(128, 128, L), y.reshape(128, 128))
    return loss[0, 0]

# --- scband reference (transcript-rebuilt; emitter-appended) ---
"""Pipeline reference for scband-compl-ex-43800076485055 (READ-ONLY COPY).

The authoritative reference and input builder live on the scoring server;
editing this copy changes nothing except your own understanding.
"""

import jax, jax.numpy as jnp
import numpy as np

B = 16384
N_ENT = 1000000
N_REL = 1000
D = 64
LMBDA = 0.0

def setup_inputs(seed: int = 0) -> dict:
    key = jax.random.key(seed)
    k1, k2, k3, k4, k5, k6, k7 = jax.random.split(key, 7)
    h = jax.random.randint(k1, (B,), 0, N_ENT, dtype=jnp.int64) if jax.config.jax_enable_x64 else jax.random.randint(k1, (B,), 0, N_ENT, dtype=jnp.int32)
    t = jax.random.randint(k2, (B,), 0, N_ENT, dtype=h.dtype)
    r = jax.random.randint(k3, (B,), 0, N_REL, dtype=h.dtype)
    y = jnp.ones((B,), dtype=jnp.float32)
    # xavier-uniform-ish init for embedding tables
    lim_e = np.sqrt(6.0 / (N_ENT + D)).astype(np.float32)
    lim_r = np.sqrt(6.0 / (N_REL + D)).astype(np.float32)
    ent1 = jax.random.uniform(k4, (N_ENT, D), dtype=jnp.float32, minval=-lim_e, maxval=lim_e)
    ent2 = jax.random.uniform(k5, (N_ENT, D), dtype=jnp.float32, minval=-lim_e, maxval=lim_e)
    rel1 = jax.random.uniform(k6, (N_REL, D), dtype=jnp.float32, minval=-lim_r, maxval=lim_r)
    rel2 = jax.random.uniform(k7, (N_REL, D), dtype=jnp.float32, minval=-lim_r, maxval=lim_r)
    return {"h": h, "t": t, "r": r, "y": y, "ent1": ent1, "ent2": ent2, "rel1": rel1, "rel2": rel2}

def _calc(e1_h, e2_h, e1_t, e2_t, r1, r2):
    return e1_h * e1_t * r1 + e2_h * e2_t * r1 + e1_h * e2_t * r2 - e2_h * e1_t * r2

def reference(h, t, r, y, ent1, ent2, rel1, rel2):
    e1_h = jnp.take(ent1, h, axis=0)
    e2_h = jnp.take(ent2, h, axis=0)
    e1_t = jnp.take(ent1, t, axis=0)
    e2_t = jnp.take(ent2, t, axis=0)
    r1 = jnp.take(rel1, r, axis=0)
    r2 = jnp.take(rel2, r, axis=0)
    res = jnp.sum(_calc(e1_h, e2_h, e1_t, e2_t, r1, r2), axis=1)
    loss_func = jnp.mean(jax.nn.softplus(-y * res), axis=0)
    regul_func = (jnp.mean(e1_h ** 2) + jnp.mean(e1_t ** 2) + jnp.mean(e2_h ** 2)
                  + jnp.mean(e2_t ** 2) + jnp.mean(r1 ** 2) + jnp.mean(r2 ** 2))
    return loss_func + LMBDA * regul_func

if __name__ == "__main__":
    import jax
    _d = setup_inputs()
    print(jax.jit(kernel)(*tuple(_d.values())))

</pallas_src>

<mosaic_0001>
#map = affine_map<(d0, d1) -> (0)>
#map1 = affine_map<(d0, d1) -> (0, 0)>
module attributes {stable_mosaic.version = 14 : i64} {
  func.func @_sc_body(%arg0: i32, %arg1: i32, %arg2: memref<16384xi32, #tpu.memory_space<hbm>>, %arg3: memref<16384xi32, #tpu.memory_space<hbm>>, %arg4: memref<16384xi32, #tpu.memory_space<hbm>>, %arg5: memref<1000000x128xf32, #tpu.memory_space<hbm>>, %arg6: memref<1000x128xf32, #tpu.memory_space<hbm>>, %arg7: memref<16384x16xf32, #tpu.memory_space<hbm>>, %arg8: memref<128xi32, #tpu.memory_space<vmem>>, %arg9: memref<128xi32, #tpu.memory_space<vmem>>, %arg10: memref<128xi32, #tpu.memory_space<vmem>>, %arg11: memref<128x128xf32, #tpu.memory_space<vmem>>, %arg12: memref<128x128xf32, #tpu.memory_space<vmem>>, %arg13: memref<128x128xf32, #tpu.memory_space<vmem>>, %arg14: memref<128x16xf32, #tpu.memory_space<vmem>>, %arg15: memref<!tpu.dma_semaphore, #tpu.memory_space<semaphore_mem>>) attributes {dimension_semantics = [#tpu.dimension_semantics<core_parallel>, #tpu.dimension_semantics<subcore_parallel>], iteration_bounds = array<i64: 2, 16>, scalar_prefetch = 0 : i64, scratch_operands = 8 : i64, tpu.core_type = #tpu.core_type<sc_vector_subcore>, window_params = [{transform_indices = #map}, {transform_indices = #map}, {transform_indices = #map}, {transform_indices = #map1}, {transform_indices = #map1}, {transform_indices = #map1}]} {
    %mul3A = arith.constant 2 : i32
    %mul3A_0 = arith.muli %arg1, %mul3A : i32
    %add3A = arith.addi %mul3A_0, %arg0 : i32
    %mul3A_1 = arith.constant 512 : i32
    %mul3A_2 = arith.muli %add3A, %mul3A_1 : i32
    %add3A_3 = arith.constant 0 : i32
    %add3A_4 = arith.addi %mul3A_2, %add3A_3 : i32
    "tpu.region"() ({
      %run_scoped3A = tpu.sem_alloc : memref<!tpu.dma_semaphore, #tpu.memory_space<semaphore_mem>>
      %dma_start3A_110 = tpu.memref_slice %arg2[%add3A_4] : memref<16384xi32, #tpu.memory_space<hbm>> -> memref<128xi32, #tpu.memory_space<hbm>>
      %dma_start3A_111 = tpu.memref_slice %arg2[%add3A_4] : memref<16384xi32, #tpu.memory_space<hbm>> -> memref<128xi32, #tpu.memory_space<hbm>>
      tpu.enqueue_dma source(%dma_start3A_111 : memref<128xi32, #tpu.memory_space<hbm>>) target(%arg8 : memref<128xi32, #tpu.memory_space<vmem>>) target_semaphore(%run_scoped3A : memref<!tpu.dma_semaphore, #tpu.memory_space<semaphore_mem>>)
      %dma_wait3A_112 = tpu.memref_slice %arg2[%add3A_4] : memref<16384xi32, #tpu.memory_space<hbm>> -> memref<128xi32, #tpu.memory_space<hbm>>
      %dma_wait3A_113 = tpu.memref_slice %arg2[%add3A_4] : memref<16384xi32, #tpu.memory_space<hbm>> -> memref<128xi32, #tpu.memory_space<hbm>>
      tpu.wait_dma2 semaphore(%run_scoped3A : memref<!tpu.dma_semaphore, #tpu.memory_space<semaphore_mem>>) src(%dma_wait3A_113 : memref<128xi32, #tpu.memory_space<hbm>>) dst(%arg8 : memref<128xi32, #tpu.memory_space<vmem>>)
      tpu.yield
    }) : () -> ()
    "tpu.region"() ({
      %run_scoped3A = tpu.sem_alloc : memref<!tpu.dma_semaphore, #tpu.memory_space<semaphore_mem>>
      %dma_start3A_110 = tpu.memref_slice %arg3[%add3A_4] : memref<16384xi32, #tpu.memory_space<hbm>> -> memref<128xi32, #tpu.memory_space<hbm>>
      %dma_start3A_111 = tpu.memref_slice %arg3[%add3A_4] : memref<16384xi32, #tpu.memory_space<hbm>> -> memref<128xi32, #tpu.memory_space<hbm>>
      tpu.enqueue_dma source(%dma_start3A_111 : memref<128xi32, #tpu.memory_space<hbm>>) target(%arg9 : memref<128xi32, #tpu.memory_space<vmem>>) target_semaphore(%run_scoped3A : memref<!tpu.dma_semaphore, #tpu.memory_space<semaphore_mem>>)
      %dma_wait3A_112 = tpu.memref_slice %arg3[%add3A_4] : memref<16384xi32, #tpu.memory_space<hbm>> -> memref<128xi32, #tpu.memory_space<hbm>>
      %dma_wait3A_113 = tpu.memref_slice %arg3[%add3A_4] : memref<16384xi32, #tpu.memory_space<hbm>> -> memref<128xi32, #tpu.memory_space<hbm>>
      tpu.wait_dma2 semaphore(%run_scoped3A : memref<!tpu.dma_semaphore, #tpu.memory_space<semaphore_mem>>) src(%dma_wait3A_113 : memref<128xi32, #tpu.memory_space<hbm>>) dst(%arg9 : memref<128xi32, #tpu.memory_space<vmem>>)
      tpu.yield
    }) : () -> ()
    "tpu.region"() ({
      %run_scoped3A = tpu.sem_alloc : memref<!tpu.dma_semaphore, #tpu.memory_space<semaphore_mem>>
      %dma_start3A_110 = tpu.memref_slice %arg4[%add3A_4] : memref<16384xi32, #tpu.memory_space<hbm>> -> memref<128xi32, #tpu.memory_space<hbm>>
      %dma_start3A_111 = tpu.memref_slice %arg4[%add3A_4] : memref<16384xi32, #tpu.memory_space<hbm>> -> memref<128xi32, #tpu.memory_space<hbm>>
      tpu.enqueue_dma source(%dma_start3A_111 : memref<128xi32, #tpu.memory_space<hbm>>) target(%arg10 : memref<128xi32, #tpu.memory_space<vmem>>) target_semaphore(%run_scoped3A : memref<!tpu.dma_semaphore, #tpu.memory_space<semaphore_mem>>)
      %dma_wait3A_112 = tpu.memref_slice %arg4[%add3A_4] : memref<16384xi32, #tpu.memory_space<hbm>> -> memref<128xi32, #tpu.memory_space<hbm>>
      %dma_wait3A_113 = tpu.memref_slice %arg4[%add3A_4] : memref<16384xi32, #tpu.memory_space<hbm>> -> memref<128xi32, #tpu.memory_space<hbm>>
      tpu.wait_dma2 semaphore(%run_scoped3A : memref<!tpu.dma_semaphore, #tpu.memory_space<semaphore_mem>>) src(%dma_wait3A_113 : memref<128xi32, #tpu.memory_space<hbm>>) dst(%arg10 : memref<128xi32, #tpu.memory_space<vmem>>)
      tpu.yield
    }) : () -> ()
    %dma_start3A = arith.constant 0 : i32
    %dma_start3A_5 = arith.constant 0 : i32
    %dma_start3A_6 = tpu.memref_slice %arg5[%dma_start3A, %dma_start3A_5] : memref<1000000x128xf32, #tpu.memory_space<hbm>> -> memref<1000000x128xf32, #tpu.memory_space<hbm>>
    tpu.enqueue_indirect_dma source(%dma_start3A_6 : memref<1000000x128xf32, #tpu.memory_space<hbm>>) target(%arg11 : memref<128x128xf32, #tpu.memory_space<vmem>>) offsets(%arg8 : memref<128xi32, #tpu.memory_space<vmem>>) semaphore(%arg15 : memref<!tpu.dma_semaphore, #tpu.memory_space<semaphore_mem>>)
    %dma_start3A_7 = arith.constant 0 : i32
    %dma_start3A_8 = arith.constant 0 : i32
    %dma_start3A_9 = tpu.memref_slice %arg5[%dma_start3A_7, %dma_start3A_8] : memref<1000000x128xf32, #tpu.memory_space<hbm>> -> memref<1000000x128xf32, #tpu.memory_space<hbm>>
    tpu.enqueue_indirect_dma source(%dma_start3A_9 : memref<1000000x128xf32, #tpu.memory_space<hbm>>) target(%arg12 : memref<128x128xf32, #tpu.memory_space<vmem>>) offsets(%arg9 : memref<128xi32, #tpu.memory_space<vmem>>) semaphore(%arg15 : memref<!tpu.dma_semaphore, #tpu.memory_space<semaphore_mem>>)
    %dma_start3A_10 = arith.constant 0 : i32
    %dma_start3A_11 = arith.constant 0 : i32
    %dma_start3A_12 = tpu.memref_slice %arg6[%dma_start3A_10, %dma_start3A_11] : memref<1000x128xf32, #tpu.memory_space<hbm>> -> memref<1000x128xf32, #tpu.memory_space<hbm>>
    tpu.enqueue_indirect_dma source(%dma_start3A_12 : memref<1000x128xf32, #tpu.memory_space<hbm>>) target(%arg13 : memref<128x128xf32, #tpu.memory_space<vmem>>) offsets(%arg10 : memref<128xi32, #tpu.memory_space<vmem>>) semaphore(%arg15 : memref<!tpu.dma_semaphore, #tpu.memory_space<semaphore_mem>>)
    %dma_wait3A = arith.constant 0 : i32
    %dma_wait3A_13 = arith.constant 0 : i32
    %dma_wait3A_14 = tpu.memref_slice %arg5[%dma_wait3A, %dma_wait3A_13] : memref<1000000x128xf32, #tpu.memory_space<hbm>> -> memref<1000000x128xf32, #tpu.memory_space<hbm>>
    tpu.wait_indirect_dma semaphore(%arg15 : memref<!tpu.dma_semaphore, #tpu.memory_space<semaphore_mem>>) src(%dma_wait3A_14 : memref<1000000x128xf32, #tpu.memory_space<hbm>>) dst(%arg11 : memref<128x128xf32, #tpu.memory_space<vmem>>)
    %dma_wait3A_15 = arith.constant 0 : i32
    %dma_wait3A_16 = arith.constant 0 : i32
    %dma_wait3A_17 = tpu.memref_slice %arg5[%dma_wait3A_15, %dma_wait3A_16] : memref<1000000x128xf32, #tpu.memory_space<hbm>> -> memref<1000000x128xf32, #tpu.memory_space<hbm>>
    tpu.wait_indirect_dma semaphore(%arg15 : memref<!tpu.dma_semaphore, #tpu.memory_space<semaphore_mem>>) src(%dma_wait3A_17 : memref<1000000x128xf32, #tpu.memory_space<hbm>>) dst(%arg12 : memref<128x128xf32, #tpu.memory_space<vmem>>)
    %dma_wait3A_18 = arith.constant 0 : i32
    %dma_wait3A_19 = arith.constant 0 : i32
    %dma_wait3A_20 = tpu.memref_slice %arg6[%dma_wait3A_18, %dma_wait3A_19] : memref<1000x128xf32, #tpu.memory_space<hbm>> -> memref<1000x128xf32, #tpu.memory_space<hbm>>
    tpu.wait_indirect_dma semaphore(%arg15 : memref<!tpu.dma_semaphore, #tpu.memory_space<semaphore_mem>>) src(%dma_wait3A_20 : memref<1000x128xf32, #tpu.memory_space<hbm>>) dst(%arg13 : memref<128x128xf32, #tpu.memory_space<vmem>>)
    %scan3A = arith.constant 0 : i32
    %scan3A_21 = arith.constant 0 : i32
    %scan3A_22 = arith.constant 128 : i32
    %scan3A_23 = arith.addi %scan3A_21, %scan3A_22 : i32
    %scan3A_24 = arith.constant 1 : i32
    scf.for %scan3A_110 = %scan3A_21 to %scan3A_23 step %scan3A_24  : i32 {
      %broadcast_in_dim3A = arith.constant 0.000000e+00 : f32
      %broadcast_in_dim3A_111 = vector.broadcast %broadcast_in_dim3A : f32 to vector<16xf32>
      %get3A = arith.index_cast %scan3A_110 : i32 to index
      %get3A_112 = arith.constant 0 : index
      %get3A_113 = tpu.vector_load %arg11[%get3A, %get3A_112] {strides = array<i32>} : memref<128x128xf32, #tpu.memory_space<vmem>>, vector<1x16xf32>,
      %get3A_114 = vector.shape_cast %get3A_113 : vector<1x16xf32> to vector<16xf32>
      %get3A_115 = arith.index_cast %scan3A_110 : i32 to index
      %get3A_116 = arith.constant 64 : index
      %get3A_117 = tpu.vector_load %arg11[%get3A_115, %get3A_116] {strides = array<i32>} : memref<128x128xf32, #tpu.memory_space<vmem>>, vector<1x16xf32>,
      %get3A_118 = vector.shape_cast %get3A_117 : vector<1x16xf32> to vector<16xf32>
      %get3A_119 = arith.index_cast %scan3A_110 : i32 to index
      %get3A_120 = arith.constant 0 : index
      %get3A_121 = tpu.vector_load %arg12[%get3A_119, %get3A_120] {strides = array<i32>} : memref<128x128xf32, #tpu.memory_space<vmem>>, vector<1x16xf32>,
      %get3A_122 = vector.shape_cast %get3A_121 : vector<1x16xf32> to vector<16xf32>
      %get3A_123 = arith.index_cast %scan3A_110 : i32 to index
      %get3A_124 = arith.constant 64 : index
      %get3A_125 = tpu.vector_load %arg12[%get3A_123, %get3A_124] {strides = array<i32>} : memref<128x128xf32, #tpu.memory_space<vmem>>, vector<1x16xf32>,
      %get3A_126 = vector.shape_cast %get3A_125 : vector<1x16xf32> to vector<16xf32>
      %get3A_127 = arith.index_cast %scan3A_110 : i32 to index
      %get3A_128 = arith.constant 0 : index
      %get3A_129 = tpu.vector_load %arg13[%get3A_127, %get3A_128] {strides = array<i32>} : memref<128x128xf32, #tpu.memory_space<vmem>>, vector<1x16xf32>,
      %get3A_130 = vector.shape_cast %get3A_129 : vector<1x16xf32> to vector<16xf32>
      %get3A_131 = arith.index_cast %scan3A_110 : i32 to index
      %get3A_132 = arith.constant 64 : index
      %get3A_133 = tpu.vector_load %arg13[%get3A_131, %get3A_132] {strides = array<i32>} : memref<128x128xf32, #tpu.memory_space<vmem>>, vector<1x16xf32>,
      %get3A_134 = vector.shape_cast %get3A_133 : vector<1x16xf32> to vector<16xf32>
      %mul3A_135 = arith.mulf %get3A_114, %get3A_122 : vector<16xf32>
      %mul3A_136 = arith.mulf %get3A_118, %get3A_126 : vector<16xf32>
      %add3A_137 = arith.addf %mul3A_135, %mul3A_136 : vector<16xf32>
      %mul3A_138 = arith.mulf %get3A_130, %add3A_137 : vector<16xf32>
      %add3A_139 = arith.addf %broadcast_in_dim3A_111, %mul3A_138 : vector<16xf32>
      %mul3A_140 = arith.mulf %get3A_114, %get3A_126 : vector<16xf32>
      %mul3A_141 = arith.mulf %get3A_118, %get3A_122 : vector<16xf32>
      %sub3A = arith.subf %mul3A_140, %mul3A_141 : vector<16xf32>
      %mul3A_142 = arith.mulf %get3A_134, %sub3A : vector<16xf32>
      %add3A_143 = arith.addf %add3A_139, %mul3A_142 : vector<16xf32>
      %get3A_144 = arith.index_cast %scan3A_110 : i32 to index
      %get3A_145 = arith.constant 16 : index
      %get3A_146 = tpu.vector_load %arg11[%get3A_144, %get3A_145] {strides = array<i32>} : memref<128x128xf32, #tpu.memory_space<vmem>>, vector<1x16xf32>,
      %get3A_147 = vector.shape_cast %get3A_146 : vector<1x16xf32> to vector<16xf32>
      %get3A_148 = arith.index_cast %scan3A_110 : i32 to index
      %get3A_149 = arith.constant 80 : index
      %get3A_150 = tpu.vector_load %arg11[%get3A_148, %get3A_149] {strides = array<i32>} : memref<128x128xf32, #tpu.memory_space<vmem>>, vector<1x16xf32>,
      %get3A_151 = vector.shape_cast %get3A_150 : vector<1x16xf32> to vector<16xf32>
      %get3A_152 = arith.index_cast %scan3A_110 : i32 to index
      %get3A_153 = arith.constant 16 : index
      %get3A_154 = tpu.vector_load %arg12[%get3A_152, %get3A_153] {strides = array<i32>} : memref<128x128xf32, #tpu.memory_space<vmem>>, vector<1x16xf32>,
      %get3A_155 = vector.shape_cast %get3A_154 : vector<1x16xf32> to vector<16xf32>
      %get3A_156 = arith.index_cast %scan3A_110 : i32 to index
      %get3A_157 = arith.constant 80 : index
      %get3A_158 = tpu.vector_load %arg12[%get3A_156, %get3A_157] {strides = array<i32>} : memref<128x128xf32, #tpu.memory_space<vmem>>, vector<1x16xf32>,
      %get3A_159 = vector.shape_cast %get3A_158 : vector<1x16xf32> to vector<16xf32>
      %get3A_160 = arith.index_cast %scan3A_110 : i32 to index
      %get3A_161 = arith.constant 16 : index
      %get3A_162 = tpu.vector_load %arg13[%get3A_160, %get3A_161] {strides = array<i32>} : memref<128x128xf32, #tpu.memory_space<vmem>>, vector<1x16xf32>,
      %get3A_163 = vector.shape_cast %get3A_162 : vector<1x16xf32> to vector<16xf32>
      %get3A_164 = arith.index_cast %scan3A_110 : i32 to index
      %get3A_165 = arith.constant 80 : index
      %get3A_166 = tpu.vector_load %arg13[%get3A_164, %get3A_165] {strides = array<i32>} : memref<128x128xf32, #tpu.memory_space<vmem>>, vector<1x16xf32>,
      %get3A_167 = vector.shape_cast %get3A_166 : vector<1x16xf32> to vector<16xf32>
      %mul3A_168 = arith.mulf %get3A_147, %get3A_155 : vector<16xf32>
      %mul3A_169 = arith.mulf %get3A_151, %get3A_159 : vector<16xf32>
      %add3A_170 = arith.addf %mul3A_168, %mul3A_169 : vector<16xf32>
      %mul3A_171 = arith.mulf %get3A_163, %add3A_170 : vector<16xf32>
      %add3A_172 = arith.addf %add3A_143, %mul3A_171 : vector<16xf32>
      %mul3A_173 = arith.mulf %get3A_147, %get3A_159 : vector<16xf32>
      %mul3A_174 = arith.mulf %get3A_151, %get3A_155 : vector<16xf32>
      %sub3A_175 = arith.subf %mul3A_173, %mul3A_174 : vector<16xf32>
      %mul3A_176 = arith.mulf %get3A_167, %sub3A_175 : vector<16xf32>
      %add3A_177 = arith.addf %add3A_172, %mul3A_176 : vector<16xf32>
      %get3A_178 = arith.index_cast %scan3A_110 : i32 to index
      %get3A_179 = arith.constant 32 : index
      %get3A_180 = tpu.vector_load %arg11[%get3A_178, %get3A_179] {strides = array<i32>} : memref<128x128xf32, #tpu.memory_space<vmem>>, vector<1x16xf32>,
      %get3A_181 = vector.shape_cast %get3A_180 : vector<1x16xf32> to vector<16xf32>
      %get3A_182 = arith.index_cast %scan3A_110 : i32 to index
      %get3A_183 = arith.constant 96 : index
      %get3A_184 = tpu.vector_load %arg11[%get3A_182, %get3A_183] {strides = array<i32>} : memref<128x128xf32, #tpu.memory_space<vmem>>, vector<1x16xf32>,
      %get3A_185 = vector.shape_cast %get3A_184 : vector<1x16xf32> to vector<16xf32>
      %get3A_186 = arith.index_cast %scan3A_110 : i32 to index
      %get3A_187 = arith.constant 32 : index
      %get3A_188 = tpu.vector_load %arg12[%get3A_186, %get3A_187] {strides = array<i32>} : memref<128x128xf32, #tpu.memory_space<vmem>>, vector<1x16xf32>,
      %get3A_189 = vector.shape_cast %get3A_188 : vector<1x16xf32> to vector<16xf32>
      %get3A_190 = arith.index_cast %scan3A_110 : i32 to index
      %get3A_191 = arith.constant 96 : index
      %get3A_192 = tpu.vector_load %arg12[%get3A_190, %get3A_191] {strides = array<i32>} : memref<128x128xf32, #tpu.memory_space<vmem>>, vector<1x16xf32>,
      %get3A_193 = vector.shape_cast %get3A_192 : vector<1x16xf32> to vector<16xf32>
      %get3A_194 = arith.index_cast %scan3A_110 : i32 to index
      %get3A_195 = arith.constant 32 : index
      %get3A_196 = tpu.vector_load %arg13[%get3A_194, %get3A_195] {strides = array<i32>} : memref<128x128xf32, #tpu.memory_space<vmem>>, vector<1x16xf32>,
      %get3A_197 = vector.shape_cast %get3A_196 : vector<1x16xf32> to vector<16xf32>
      %get3A_198 = arith.index_cast %scan3A_110 : i32 to index
      %get3A_199 = arith.constant 96 : index
      %get3A_200 = tpu.vector_load %arg13[%get3A_198, %get3A_199] {strides = array<i32>} : memref<128x128xf32, #tpu.memory_space<vmem>>, vector<1x16xf32>,
      %get3A_201 = vector.shape_cast %get3A_200 : vector<1x16xf32> to vector<16xf32>
      %mul3A_202 = arith.mulf %get3A_181, %get3A_189 : vector<16xf32>
      %mul3A_203 = arith.mulf %get3A_185, %get3A_193 : vector<16xf32>
      %add3A_204 = arith.addf %mul3A_202, %mul3A_203 : vector<16xf32>
      %mul3A_205 = arith.mulf %get3A_197, %add3A_204 : vector<16xf32>
      %add3A_206 = arith.addf %add3A_177, %mul3A_205 : vector<16xf32>
      %mul3A_207 = arith.mulf %get3A_181, %get3A_193 : vector<16xf32>
      %mul3A_208 = arith.mulf %get3A_185, %get3A_189 : vector<16xf32>
      %sub3A_209 = arith.subf %mul3A_207, %mul3A_208 : vector<16xf32>
      %mul3A_210 = arith.mulf %get3A_201, %sub3A_209 : vector<16xf32>
      %add3A_211 = arith.addf %add3A_206, %mul3A_210 : vector<16xf32>
      %get3A_212 = arith.index_cast %scan3A_110 : i32 to index
      %get3A_213 = arith.constant 48 : index
      %get3A_214 = tpu.vector_load %arg11[%get3A_212, %get3A_213] {strides = array<i32>} : memref<128x128xf32, #tpu.memory_space<vmem>>, vector<1x16xf32>,
      %get3A_215 = vector.shape_cast %get3A_214 : vector<1x16xf32> to vector<16xf32>
      %get3A_216 = arith.index_cast %scan3A_110 : i32 to index
      %get3A_217 = arith.constant 112 : index
      %get3A_218 = tpu.vector_load %arg11[%get3A_216, %get3A_217] {strides = array<i32>} : memref<128x128xf32, #tpu.memory_space<vmem>>, vector<1x16xf32>,
      %get3A_219 = vector.shape_cast %get3A_218 : vector<1x16xf32> to vector<16xf32>
      %get3A_220 = arith.index_cast %scan3A_110 : i32 to index
      %get3A_221 = arith.constant 48 : index
      %get3A_222 = tpu.vector_load %arg12[%get3A_220, %get3A_221] {strides = array<i32>} : memref<128x128xf32, #tpu.memory_space<vmem>>, vector<1x16xf32>,
      %get3A_223 = vector.shape_cast %get3A_222 : vector<1x16xf32> to vector<16xf32>
      %get3A_224 = arith.index_cast %scan3A_110 : i32 to index
      %get3A_225 = arith.constant 112 : index
      %get3A_226 = tpu.vector_load %arg12[%get3A_224, %get3A_225] {strides = array<i32>} : memref<128x128xf32, #tpu.memory_space<vmem>>, vector<1x16xf32>,
      %get3A_227 = vector.shape_cast %get3A_226 : vector<1x16xf32> to vector<16xf32>
      %get3A_228 = arith.index_cast %scan3A_110 : i32 to index
      %get3A_229 = arith.constant 48 : index
      %get3A_230 = tpu.vector_load %arg13[%get3A_228, %get3A_229] {strides = array<i32>} : memref<128x128xf32, #tpu.memory_space<vmem>>, vector<1x16xf32>,
      %get3A_231 = vector.shape_cast %get3A_230 : vector<1x16xf32> to vector<16xf32>
      %get3A_232 = arith.index_cast %scan3A_110 : i32 to index
      %get3A_233 = arith.constant 112 : index
      %get3A_234 = tpu.vector_load %arg13[%get3A_232, %get3A_233] {strides = array<i32>} : memref<128x128xf32, #tpu.memory_space<vmem>>, vector<1x16xf32>,
      %get3A_235 = vector.shape_cast %get3A_234 : vector<1x16xf32> to vector<16xf32>
      %mul3A_236 = arith.mulf %get3A_215, %get3A_223 : vector<16xf32>
      %mul3A_237 = arith.mulf %get3A_219, %get3A_227 : vector<16xf32>
      %add3A_238 = arith.addf %mul3A_236, %mul3A_237 : vector<16xf32>
      %mul3A_239 = arith.mulf %get3A_231, %add3A_238 : vector<16xf32>
      %add3A_240 = arith.addf %add3A_211, %mul3A_239 : vector<16xf32>
      %mul3A_241 = arith.mulf %get3A_215, %get3A_227 : vector<16xf32>
      %mul3A_242 = arith.mulf %get3A_219, %get3A_223 : vector<16xf32>
      %sub3A_243 = arith.subf %mul3A_241, %mul3A_242 : vector<16xf32>
      %mul3A_244 = arith.mulf %get3A_235, %sub3A_243 : vector<16xf32>
      %add3A_245 = arith.addf %add3A_240, %mul3A_244 : vector<16xf32>
      %swap3A = arith.index_cast %scan3A_110 : i32 to index
      %swap3A_246 = arith.constant 0 : index
      %swap3A_247 = tpu.vector_load %arg14[%swap3A, %swap3A_246] {strides = array<i32>} : memref<128x16xf32, #tpu.memory_space<vmem>>, vector<1x16xf32>,
      %swap3A_248 = vector.shape_cast %swap3A_247 : vector<1x16xf32> to vector<16xf32>
      %swap3A_249 = vector.shape_cast %add3A_245 : vector<16xf32> to vector<1x16xf32>
      tpu.vector_store %arg14[%swap3A, %swap3A_246], %swap3A_249 {strides = array<i32>} : memref<128x16xf32, #tpu.memory_space<vmem>>, vector<1x16xf32>,
    }
    %scan3A_25 = arith.constant 128 : i32
    "tpu.region"() ({
      %run_scoped3A = tpu.sem_alloc : memref<!tpu.dma_semaphore, #tpu.memory_space<semaphore_mem>>
      %dma_start3A_110 = arith.constant 0 : i32
      %dma_start3A_111 = tpu.memref_slice %arg7[%add3A_4, %dma_start3A_110] : memref<16384x16xf32, #tpu.memory_space<hbm>> -> memref<128x16xf32, #tpu.memory_space<hbm>>
      %dma_start3A_112 = arith.constant 0 : i32
      %dma_start3A_113 = tpu.memref_slice %arg7[%add3A_4, %dma_start3A_112] : memref<16384x16xf32, #tpu.memory_space<hbm>> -> memref<128x16xf32, #tpu.memory_space<hbm>>
      tpu.enqueue_dma source(%arg14 : memref<128x16xf32, #tpu.memory_space<vmem>>) target(%dma_start3A_113 : memref<128x16xf32, #tpu.memory_space<hbm>>) target_semaphore(%run_scoped3A : memref<!tpu.dma_semaphore, #tpu.memory_space<semaphore_mem>>)
      %dma_wait3A_114 = arith.constant 0 : i32
      %dma_wait3A_115 = tpu.memref_slice %arg7[%add3A_4, %dma_wait3A_114] : memref<16384x16xf32, #tpu.memory_space<hbm>> -> memref<128x16xf32, #tpu.memory_space<hbm>>
      %dma_wait3A_116 = arith.constant 0 : i32
      %dma_wait3A_117 = tpu.memref_slice %arg7[%add3A_4, %dma_wait3A_116] : memref<16384x16xf32, #tpu.memory_space<hbm>> -> memref<128x16xf32, #tpu.memory_space<hbm>>
      tpu.wait_dma2 semaphore(%run_scoped3A : memref<!tpu.dma_semaphore, #tpu.memory_space<semaphore_mem>>) src(%arg14 : memref<128x16xf32, #tpu.memory_space<vmem>>) dst(%dma_wait3A_117 : memref<128x16xf32, #tpu.memory_space<hbm>>)
      tpu.yield
    }) : () -> ()
    %mul3A_26 = arith.constant 512 : i32
    %mul3A_27 = arith.muli %add3A, %mul3A_26 : i32
    %add3A_28 = arith.constant 128 : i32
    %add3A_29 = arith.addi %mul3A_27, %add3A_28 : i32
    "tpu.region"() ({
      %run_scoped3A = tpu.sem_alloc : memref<!tpu.dma_semaphore, #tpu.memory_space<semaphore_mem>>
      %dma_start3A_110 = tpu.memref_slice %arg2[%add3A_29] : memref<16384xi32, #tpu.memory_space<hbm>> -> memref<128xi32, #tpu.memory_space<hbm>>
      %dma_start3A_111 = tpu.memref_slice %arg2[%add3A_29] : memref<16384xi32, #tpu.memory_space<hbm>> -> memref<128xi32, #tpu.memory_space<hbm>>
      tpu.enqueue_dma source(%dma_start3A_111 : memref<128xi32, #tpu.memory_space<hbm>>) target(%arg8 : memref<128xi32, #tpu.memory_space<vmem>>) target_semaphore(%run_scoped3A : memref<!tpu.dma_semaphore, #tpu.memory_space<semaphore_mem>>)
      %dma_wait3A_112 = tpu.memref_slice %arg2[%add3A_29] : memref<16384xi32, #tpu.memory_space<hbm>> -> memref<128xi32, #tpu.memory_space<hbm>>
      %dma_wait3A_113 = tpu.memref_slice %arg2[%add3A_29] : memref<16384xi32, #tpu.memory_space<hbm>> -> memref<128xi32, #tpu.memory_space<hbm>>
      tpu.wait_dma2 semaphore(%run_scoped3A : memref<!tpu.dma_semaphore, #tpu.memory_space<semaphore_mem>>) src(%dma_wait3A_113 : memref<128xi32, #tpu.memory_space<hbm>>) dst(%arg8 : memref<128xi32, #tpu.memory_space<vmem>>)
      tpu.yield
    }) : () -> ()
    "tpu.region"() ({
      %run_scoped3A = tpu.sem_alloc : memref<!tpu.dma_semaphore, #tpu.memory_space<semaphore_mem>>
      %dma_start3A_110 = tpu.memref_slice %arg3[%add3A_29] : memref<16384xi32, #tpu.memory_space<hbm>> -> memref<128xi32, #tpu.memory_space<hbm>>
      %dma_start3A_111 = tpu.memref_slice %arg3[%add3A_29] : memref<16384xi32, #tpu.memory_space<hbm>> -> memref<128xi32, #tpu.memory_space<hbm>>
      tpu.enqueue_dma source(%dma_start3A_111 : memref<128xi32, #tpu.memory_space<hbm>>) target(%arg9 : memref<128xi32, #tpu.memory_space<vmem>>) target_semaphore(%run_scoped3A : memref<!tpu.dma_semaphore, #tpu.memory_space<semaphore_mem>>)
      %dma_wait3A_112 = tpu.memref_slice %arg3[%add3A_29] : memref<16384xi32, #tpu.memory_space<hbm>> -> memref<128xi32, #tpu.memory_space<hbm>>
      %dma_wait3A_113 = tpu.memref_slice %arg3[%add3A_29] : memref<16384xi32, #tpu.memory_space<hbm>> -> memref<128xi32, #tpu.memory_space<hbm>>
      tpu.wait_dma2 semaphore(%run_scoped3A : memref<!tpu.dma_semaphore, #tpu.memory_space<semaphore_mem>>) src(%dma_wait3A_113 : memref<128xi32, #tpu.memory_space<hbm>>) dst(%arg9 : memref<128xi32, #tpu.memory_space<vmem>>)
      tpu.yield
    }) : () -> ()
    "tpu.region"() ({
      %run_scoped3A = tpu.sem_alloc : memref<!tpu.dma_semaphore, #tpu.memory_space<semaphore_mem>>
      %dma_start3A_110 = tpu.memref_slice %arg4[%add3A_29] : memref<16384xi32, #tpu.memory_space<hbm>> -> memref<128xi32, #tpu.memory_space<hbm>>
      %dma_start3A_111 = tpu.memref_slice %arg4[%add3A_29] : memref<16384xi32, #tpu.memory_space<hbm>> -> memref<128xi32, #tpu.memory_space<hbm>>
      tpu.enqueue_dma source(%dma_start3A_111 : memref<128xi32, #tpu.memory_space<hbm>>) target(%arg10 : memref<128xi32, #tpu.memory_space<vmem>>) target_semaphore(%run_scoped3A : memref<!tpu.dma_semaphore, #tpu.memory_space<semaphore_mem>>)
      %dma_wait3A_112 = tpu.memref_slice %arg4[%add3A_29] : memref<16384xi32, #tpu.memory_space<hbm>> -> memref<128xi32, #tpu.memory_space<hbm>>
      %dma_wait3A_113 = tpu.memref_slice %arg4[%add3A_29] : memref<16384xi32, #tpu.memory_space<hbm>> -> memref<128xi32, #tpu.memory_space<hbm>>
      tpu.wait_dma2 semaphore(%run_scoped3A : memref<!tpu.dma_semaphore, #tpu.memory_space<semaphore_mem>>) src(%dma_wait3A_113 : memref<128xi32, #tpu.memory_space<hbm>>) dst(%arg10 : memref<128xi32, #tpu.memory_space<vmem>>)
      tpu.yield
    }) : () -> ()
    %dma_start3A_30 = arith.constant 0 : i32
    %dma_start3A_31 = arith.constant 0 : i32
    %dma_start3A_32 = tpu.memref_slice %arg5[%dma_start3A_30, %dma_start3A_31] : memref<1000000x128xf32, #tpu.memory_space<hbm>> -> memref<1000000x128xf32, #tpu.memory_space<hbm>>
    tpu.enqueue_indirect_dma source(%dma_start3A_32 : memref<1000000x128xf32, #tpu.memory_space<hbm>>) target(%arg11 : memref<128x128xf32, #tpu.memory_space<vmem>>) offsets(%arg8 : memref<128xi32, #tpu.memory_space<vmem>>) semaphore(%arg15 : memref<!tpu.dma_semaphore, #tpu.memory_space<semaphore_mem>>)
    %dma_start3A_33 = arith.constant 0 : i32
    %dma_start3A_34 = arith.constant 0 : i32
    %dma_start3A_35 = tpu.memref_slice %arg5[%dma_start3A_33, %dma_start3A_34] : memref<1000000x128xf32, #tpu.memory_space<hbm>> -> memref<1000000x128xf32, #tpu.memory_space<hbm>>
    tpu.enqueue_indirect_dma source(%dma_start3A_35 : memref<1000000x128xf32, #tpu.memory_space<hbm>>) target(%arg12 : memref<128x128xf32, #tpu.memory_space<vmem>>) offsets(%arg9 : memref<128xi32, #tpu.memory_space<vmem>>) semaphore(%arg15 : memref<!tpu.dma_semaphore, #tpu.memory_space<semaphore_mem>>)
    %dma_start3A_36 = arith.constant 0 : i32
    %dma_start3A_37 = arith.constant 0 : i32
    %dma_start3A_38 = tpu.memref_slice %arg6[%dma_start3A_36, %dma_start3A_37] : memref<1000x128xf32, #tpu.memory_space<hbm>> -> memref<1000x128xf32, #tpu.memory_space<hbm>>
    tpu.enqueue_indirect_dma source(%dma_start3A_38 : memref<1000x128xf32, #tpu.memory_space<hbm>>) target(%arg13 : memref<128x128xf32, #tpu.memory_space<vmem>>) offsets(%arg10 : memref<128xi32, #tpu.memory_space<vmem>>) semaphore(%arg15 : memref<!tpu.dma_semaphore, #tpu.memory_space<semaphore_mem>>)
    %dma_wait3A_39 = arith.constant 0 : i32
    %dma_wait3A_40 = arith.constant 0 : i32
    %dma_wait3A_41 = tpu.memref_slice %arg5[%dma_wait3A_39, %dma_wait3A_40] : memref<1000000x128xf32, #tpu.memory_space<hbm>> -> memref<1000000x128xf32, #tpu.memory_space<hbm>>
    tpu.wait_indirect_dma semaphore(%arg15 : memref<!tpu.dma_semaphore, #tpu.memory_space<semaphore_mem>>) src(%dma_wait3A_41 : memref<1000000x128xf32, #tpu.memory_space<hbm>>) dst(%arg11 : memref<128x128xf32, #tpu.memory_space<vmem>>)
    %dma_wait3A_42 = arith.constant 0 : i32
    %dma_wait3A_43 = arith.constant 0 : i32
    %dma_wait3A_44 = tpu.memref_slice %arg5[%dma_wait3A_42, %dma_wait3A_43] : memref<1000000x128xf32, #tpu.memory_space<hbm>> -> memref<1000000x128xf32, #tpu.memory_space<hbm>>
    tpu.wait_indirect_dma semaphore(%arg15 : memref<!tpu.dma_semaphore, #tpu.memory_space<semaphore_mem>>) src(%dma_wait3A_44 : memref<1000000x128xf32, #tpu.memory_space<hbm>>) dst(%arg12 : memref<128x128xf32, #tpu.memory_space<vmem>>)
    %dma_wait3A_45 = arith.constant 0 : i32
    %dma_wait3A_46 = arith.constant 0 : i32
    %dma_wait3A_47 = tpu.memref_slice %arg6[%dma_wait3A_45, %dma_wait3A_46] : memref<1000x128xf32, #tpu.memory_space<hbm>> -> memref<1000x128xf32, #tpu.memory_space<hbm>>
    tpu.wait_indirect_dma semaphore(%arg15 : memref<!tpu.dma_semaphore, #tpu.memory_space<semaphore_mem>>) src(%dma_wait3A_47 : memref<1000x128xf32, #tpu.memory_space<hbm>>) dst(%arg13 : memref<128x128xf32, #tpu.memory_space<vmem>>)
    %scan3A_48 = arith.constant 0 : i32
    %scan3A_49 = arith.constant 0 : i32
    %scan3A_50 = arith.constant 128 : i32
    %scan3A_51 = arith.addi %scan3A_49, %scan3A_50 : i32
    %scan3A_52 = arith.constant 1 : i32
    scf.for %scan3A_110 = %scan3A_49 to %scan3A_51 step %scan3A_52  : i32 {
      %broadcast_in_dim3A = arith.constant 0.000000e+00 : f32
      %broadcast_in_dim3A_111 = vector.broadcast %broadcast_in_dim3A : f32 to vector<16xf32>
      %get3A = arith.index_cast %scan3A_110 : i32 to index
      %get3A_112 = arith.constant 0 : index
      %get3A_113 = tpu.vector_load %arg11[%get3A, %get3A_112] {strides = array<i32>} : memref<128x128xf32, #tpu.memory_space<vmem>>, vector<1x16xf32>,
      %get3A_114 = vector.shape_cast %get3A_113 : vector<1x16xf32> to vector<16xf32>
      %get3A_115 = arith.index_cast %scan3A_110 : i32 to index
      %get3A_116 = arith.constant 64 : index
      %get3A_117 = tpu.vector_load %arg11[%get3A_115, %get3A_116] {strides = array<i32>} : memref<128x128xf32, #tpu.memory_space<vmem>>, vector<1x16xf32>,
      %get3A_118 = vector.shape_cast %get3A_117 : vector<1x16xf32> to vector<16xf32>
      %get3A_119 = arith.index_cast %scan3A_110 : i32 to index
      %get3A_120 = arith.constant 0 : index
      %get3A_121 = tpu.vector_load %arg12[%get3A_119, %get3A_120] {strides = array<i32>} : memref<128x128xf32, #tpu.memory_space<vmem>>, vector<1x16xf32>,
      %get3A_122 = vector.shape_cast %get3A_121 : vector<1x16xf32> to vector<16xf32>
      %get3A_123 = arith.index_cast %scan3A_110 : i32 to index
      %get3A_124 = arith.constant 64 : index
      %get3A_125 = tpu.vector_load %arg12[%get3A_123, %get3A_124] {strides = array<i32>} : memref<128x128xf32, #tpu.memory_space<vmem>>, vector<1x16xf32>,
      %get3A_126 = vector.shape_cast %get3A_125 : vector<1x16xf32> to vector<16xf32>
      %get3A_127 = arith.index_cast %scan3A_110 : i32 to index
      %get3A_128 = arith.constant 0 : index
      %get3A_129 = tpu.vector_load %arg13[%get3A_127, %get3A_128] {strides = array<i32>} : memref<128x128xf32, #tpu.memory_space<vmem>>, vector<1x16xf32>,
      %get3A_130 = vector.shape_cast %get3A_129 : vector<1x16xf32> to vector<16xf32>
      %get3A_131 = arith.index_cast %scan3A_110 : i32 to index
      %get3A_132 = arith.constant 64 : index
      %get3A_133 = tpu.vector_load %arg13[%get3A_131, %get3A_132] {strides = array<i32>} : memref<128x128xf32, #tpu.memory_space<vmem>>, vector<1x16xf32>,
      %get3A_134 = vector.shape_cast %get3A_133 : vector<1x16xf32> to vector<16xf32>
      %mul3A_135 = arith.mulf %get3A_114, %get3A_122 : vector<16xf32>
      %mul3A_136 = arith.mulf %get3A_118, %get3A_126 : vector<16xf32>
      %add3A_137 = arith.addf %mul3A_135, %mul3A_136 : vector<16xf32>
      %mul3A_138 = arith.mulf %get3A_130, %add3A_137 : vector<16xf32>
      %add3A_139 = arith.addf %broadcast_in_dim3A_111, %mul3A_138 : vector<16xf32>
      %mul3A_140 = arith.mulf %get3A_114, %get3A_126 : vector<16xf32>
      %mul3A_141 = arith.mulf %get3A_118, %get3A_122 : vector<16xf32>
      %sub3A = arith.subf %mul3A_140, %mul3A_141 : vector<16xf32>
      %mul3A_142 = arith.mulf %get3A_134, %sub3A : vector<16xf32>
      %add3A_143 = arith.addf %add3A_139, %mul3A_142 : vector<16xf32>
      %get3A_144 = arith.index_cast %scan3A_110 : i32 to index
      %get3A_145 = arith.constant 16 : index
      %get3A_146 = tpu.vector_load %arg11[%get3A_144, %get3A_145] {strides = array<i32>} : memref<128x128xf32, #tpu.memory_space<vmem>>, vector<1x16xf32>,
      %get3A_147 = vector.shape_cast %get3A_146 : vector<1x16xf32> to vector<16xf32>
      %get3A_148 = arith.index_cast %scan3A_110 : i32 to index
      %get3A_149 = arith.constant 80 : index
      %get3A_150 = tpu.vector_load %arg11[%get3A_148, %get3A_149] {strides = array<i32>} : memref<128x128xf32, #tpu.memory_space<vmem>>, vector<1x16xf32>,
      %get3A_151 = vector.shape_cast %get3A_150 : vector<1x16xf32> to vector<16xf32>
      %get3A_152 = arith.index_cast %scan3A_110 : i32 to index
      %get3A_153 = arith.constant 16 : index
      %get3A_154 = tpu.vector_load %arg12[%get3A_152, %get3A_153] {strides = array<i32>} : memref<128x128xf32, #tpu.memory_space<vmem>>, vector<1x16xf32>,
      %get3A_155 = vector.shape_cast %get3A_154 : vector<1x16xf32> to vector<16xf32>
      %get3A_156 = arith.index_cast %scan3A_110 : i32 to index
      %get3A_157 = arith.constant 80 : index
      %get3A_158 = tpu.vector_load %arg12[%get3A_156, %get3A_157] {strides = array<i32>} : memref<128x128xf32, #tpu.memory_space<vmem>>, vector<1x16xf32>,
      %get3A_159 = vector.shape_cast %get3A_158 : vector<1x16xf32> to vector<16xf32>
      %get3A_160 = arith.index_cast %scan3A_110 : i32 to index
      %get3A_161 = arith.constant 16 : index
      %get3A_162 = tpu.vector_load %arg13[%get3A_160, %get3A_161] {strides = array<i32>} : memref<128x128xf32, #tpu.memory_space<vmem>>, vector<1x16xf32>,
      %get3A_163 = vector.shape_cast %get3A_162 : vector<1x16xf32> to vector<16xf32>
      %get3A_164 = arith.index_cast %scan3A_110 : i32 to index
      %get3A_165 = arith.constant 80 : index
      %get3A_166 = tpu.vector_load %arg13[%get3A_164, %get3A_165] {strides = array<i32>} : memref<128x128xf32, #tpu.memory_space<vmem>>, vector<1x16xf32>,
      %get3A_167 = vector.shape_cast %get3A_166 : vector<1x16xf32> to vector<16xf32>
      %mul3A_168 = arith.mulf %get3A_147, %get3A_155 : vector<16xf32>
      %mul3A_169 = arith.mulf %get3A_151, %get3A_159 : vector<16xf32>
      %add3A_170 = arith.addf %mul3A_168, %mul3A_169 : vector<16xf32>
      %mul3A_171 = arith.mulf %get3A_163, %add3A_170 : vector<16xf32>
      %add3A_172 = arith.addf %add3A_143, %mul3A_171 : vector<16xf32>
      %mul3A_173 = arith.mulf %get3A_147, %get3A_159 : vector<16xf32>
      %mul3A_174 = arith.mulf %get3A_151, %get3A_155 : vector<16xf32>
      %sub3A_175 = arith.subf %mul3A_173, %mul3A_174 : vector<16xf32>
      %mul3A_176 = arith.mulf %get3A_167, %sub3A_175 : vector<16xf32>
      %add3A_177 = arith.addf %add3A_172, %mul3A_176 : vector<16xf32>
      %get3A_178 = arith.index_cast %scan3A_110 : i32 to index
      %get3A_179 = arith.constant 32 : index
      %get3A_180 = tpu.vector_load %arg11[%get3A_178, %get3A_179] {strides = array<i32>} : memref<128x128xf32, #tpu.memory_space<vmem>>, vector<1x16xf32>,
      %get3A_181 = vector.shape_cast %get3A_180 : vector<1x16xf32> to vector<16xf32>
      %get3A_182 = arith.index_cast %scan3A_110 : i32 to index
      %get3A_183 = arith.constant 96 : index
      %get3A_184 = tpu.vector_load %arg11[%get3A_182, %get3A_183] {strides = array<i32>} : memref<128x128xf32, #tpu.memory_space<vmem>>, vector<1x16xf32>,
      %get3A_185 = vector.shape_cast %get3A_184 : vector<1x16xf32> to vector<16xf32>
      %get3A_186 = arith.index_cast %scan3A_110 : i32 to index
      %get3A_187 = arith.constant 32 : index
      %get3A_188 = tpu.vector_load %arg12[%get3A_186, %get3A_187] {strides = array<i32>} : memref<128x128xf32, #tpu.memory_space<vmem>>, vector<1x16xf32>,
      %get3A_189 = vector.shape_cast %get3A_188 : vector<1x16xf32> to vector<16xf32>
      %get3A_190 = arith.index_cast %scan3A_110 : i32 to index
      %get3A_191 = arith.constant 96 : index
      %get3A_192 = tpu.vector_load %arg12[%get3A_190, %get3A_191] {strides = array<i32>} : memref<128x128xf32, #tpu.memory_space<vmem>>, vector<1x16xf32>,
      %get3A_193 = vector.shape_cast %get3A_192 : vector<1x16xf32> to vector<16xf32>
      %get3A_194 = arith.index_cast %scan3A_110 : i32 to index
      %get3A_195 = arith.constant 32 : index
      %get3A_196 = tpu.vector_load %arg13[%get3A_194, %get3A_195] {strides = array<i32>} : memref<128x128xf32, #tpu.memory_space<vmem>>, vector<1x16xf32>,
      %get3A_197 = vector.shape_cast %get3A_196 : vector<1x16xf32> to vector<16xf32>
      %get3A_198 = arith.index_cast %scan3A_110 : i32 to index
      %get3A_199 = arith.constant 96 : index
      %get3A_200 = tpu.vector_load %arg13[%get3A_198, %get3A_199] {strides = array<i32>} : memref<128x128xf32, #tpu.memory_space<vmem>>, vector<1x16xf32>,
      %get3A_201 = vector.shape_cast %get3A_200 : vector<1x16xf32> to vector<16xf32>
      %mul3A_202 = arith.mulf %get3A_181, %get3A_189 : vector<16xf32>
      %mul3A_203 = arith.mulf %get3A_185, %get3A_193 : vector<16xf32>
      %add3A_204 = arith.addf %mul3A_202, %mul3A_203 : vector<16xf32>
      %mul3A_205 = arith.mulf %get3A_197, %add3A_204 : vector<16xf32>
      %add3A_206 = arith.addf %add3A_177, %mul3A_205 : vector<16xf32>
      %mul3A_207 = arith.mulf %get3A_181, %get3A_193 : vector<16xf32>
      %mul3A_208 = arith.mulf %get3A_185, %get3A_189 : vector<16xf32>
      %sub3A_209 = arith.subf %mul3A_207, %mul3A_208 : vector<16xf32>
      %mul3A_210 = arith.mulf %get3A_201, %sub3A_209 : vector<16xf32>
      %add3A_211 = arith.addf %add3A_206, %mul3A_210 : vector<16xf32>
      %get3A_212 = arith.index_cast %scan3A_110 : i32 to index
      %get3A_213 = arith.constant 48 : index
      %get3A_214 = tpu.vector_load %arg11[%get3A_212, %get3A_213] {strides = array<i32>} : memref<128x128xf32, #tpu.memory_space<vmem>>, vector<1x16xf32>,
      %get3A_215 = vector.shape_cast %get3A_214 : vector<1x16xf32> to vector<16xf32>
      %get3A_216 = arith.index_cast %scan3A_110 : i32 to index
      %get3A_217 = arith.constant 112 : index
      %get3A_218 = tpu.vector_load %arg11[%get3A_216, %get3A_217] {strides = array<i32>} : memref<128x128xf32, #tpu.memory_space<vmem>>, vector<1x16xf32>,
      %get3A_219 = vector.shape_cast %get3A_218 : vector<1x16xf32> to vector<16xf32>
      %get3A_220 = arith.index_cast %scan3A_110 : i32 to index
      %get3A_221 = arith.constant 48 : index
      %get3A_222 = tpu.vector_load %arg12[%get3A_220, %get3A_221] {strides = array<i32>} : memref<128x128xf32, #tpu.memory_space<vmem>>, vector<1x16xf32>,
      %get3A_223 = vector.shape_cast %get3A_222 : vector<1x16xf32> to vector<16xf32>
      %get3A_224 = arith.index_cast %scan3A_110 : i32 to index
      %get3A_225 = arith.constant 112 : index
      %get3A_226 = tpu.vector_load %arg12[%get3A_224, %get3A_225] {strides = array<i32>} : memref<128x128xf32, #tpu.memory_space<vmem>>, vector<1x16xf32>,
      %get3A_227 = vector.shape_cast %get3A_226 : vector<1x16xf32> to vector<16xf32>
      %get3A_228 = arith.index_cast %scan3A_110 : i32 to index
      %get3A_229 = arith.constant 48 : index
      %get3A_230 = tpu.vector_load %arg13[%get3A_228, %get3A_229] {strides = array<i32>} : memref<128x128xf32, #tpu.memory_space<vmem>>, vector<1x16xf32>,
      %get3A_231 = vector.shape_cast %get3A_230 : vector<1x16xf32> to vector<16xf32>
      %get3A_232 = arith.index_cast %scan3A_110 : i32 to index
      %get3A_233 = arith.constant 112 : index
      %get3A_234 = tpu.vector_load %arg13[%get3A_232, %get3A_233] {strides = array<i32>} : memref<128x128xf32, #tpu.memory_space<vmem>>, vector<1x16xf32>,
      %get3A_235 = vector.shape_cast %get3A_234 : vector<1x16xf32> to vector<16xf32>
      %mul3A_236 = arith.mulf %get3A_215, %get3A_223 : vector<16xf32>
      %mul3A_237 = arith.mulf %get3A_219, %get3A_227 : vector<16xf32>
      %add3A_238 = arith.addf %mul3A_236, %mul3A_237 : vector<16xf32>
      %mul3A_239 = arith.mulf %get3A_231, %add3A_238 : vector<16xf32>
      %add3A_240 = arith.addf %add3A_211, %mul3A_239 : vector<16xf32>
      %mul3A_241 = arith.mulf %get3A_215, %get3A_227 : vector<16xf32>
      %mul3A_242 = arith.mulf %get3A_219, %get3A_223 : vector<16xf32>
      %sub3A_243 = arith.subf %mul3A_241, %mul3A_242 : vector<16xf32>
      %mul3A_244 = arith.mulf %get3A_235, %sub3A_243 : vector<16xf32>
      %add3A_245 = arith.addf %add3A_240, %mul3A_244 : vector<16xf32>
      %swap3A = arith.index_cast %scan3A_110 : i32 to index
      %swap3A_246 = arith.constant 0 : index
      %swap3A_247 = tpu.vector_load %arg14[%swap3A, %swap3A_246] {strides = array<i32>} : memref<128x16xf32, #tpu.memory_space<vmem>>, vector<1x16xf32>,
      %swap3A_248 = vector.shape_cast %swap3A_247 : vector<1x16xf32> to vector<16xf32>
      %swap3A_249 = vector.shape_cast %add3A_245 : vector<16xf32> to vector<1x16xf32>
      tpu.vector_store %arg14[%swap3A, %swap3A_246], %swap3A_249 {strides = array<i32>} : memref<128x16xf32, #tpu.memory_space<vmem>>, vector<1x16xf32>,
    }
    %scan3A_53 = arith.constant 128 : i32
    "tpu.region"() ({
      %run_scoped3A = tpu.sem_alloc : memref<!tpu.dma_semaphore, #tpu.memory_space<semaphore_mem>>
      %dma_start3A_110 = arith.constant 0 : i32
      %dma_start3A_111 = tpu.memref_slice %arg7[%add3A_29, %dma_start3A_110] : memref<16384x16xf32, #tpu.memory_space<hbm>> -> memref<128x16xf32, #tpu.memory_space<hbm>>
      %dma_start3A_112 = arith.constant 0 : i32
      %dma_start3A_113 = tpu.memref_slice %arg7[%add3A_29, %dma_start3A_112] : memref<16384x16xf32, #tpu.memory_space<hbm>> -> memref<128x16xf32, #tpu.memory_space<hbm>>
      tpu.enqueue_dma source(%arg14 : memref<128x16xf32, #tpu.memory_space<vmem>>) target(%dma_start3A_113 : memref<128x16xf32, #tpu.memory_space<hbm>>) target_semaphore(%run_scoped3A : memref<!tpu.dma_semaphore, #tpu.memory_space<semaphore_mem>>)
      %dma_wait3A_114 = arith.constant 0 : i32
      %dma_wait3A_115 = tpu.memref_slice %arg7[%add3A_29, %dma_wait3A_114] : memref<16384x16xf32, #tpu.memory_space<hbm>> -> memref<128x16xf32, #tpu.memory_space<hbm>>
      %dma_wait3A_116 = arith.constant 0 : i32
      %dma_wait3A_117 = tpu.memref_slice %arg7[%add3A_29, %dma_wait3A_116] : memref<16384x16xf32, #tpu.memory_space<hbm>> -> memref<128x16xf32, #tpu.memory_space<hbm>>
      tpu.wait_dma2 semaphore(%run_scoped3A : memref<!tpu.dma_semaphore, #tpu.memory_space<semaphore_mem>>) src(%arg14 : memref<128x16xf32, #tpu.memory_space<vmem>>) dst(%dma_wait3A_117 : memref<128x16xf32, #tpu.memory_space<hbm>>)
      tpu.yield
    }) : () -> ()
    %mul3A_54 = arith.constant 512 : i32
    %mul3A_55 = arith.muli %add3A, %mul3A_54 : i32
    %add3A_56 = arith.constant 256 : i32
    %add3A_57 = arith.addi %mul3A_55, %add3A_56 : i32
    "tpu.region"() ({
      %run_scoped3A = tpu.sem_alloc : memref<!tpu.dma_semaphore, #tpu.memory_space<semaphore_mem>>
      %dma_start3A_110 = tpu.memref_slice %arg2[%add3A_57] : memref<16384xi32, #tpu.memory_space<hbm>> -> memref<128xi32, #tpu.memory_space<hbm>>
      %dma_start3A_111 = tpu.memref_slice %arg2[%add3A_57] : memref<16384xi32, #tpu.memory_space<hbm>> -> memref<128xi32, #tpu.memory_space<hbm>>
      tpu.enqueue_dma source(%dma_start3A_111 : memref<128xi32, #tpu.memory_space<hbm>>) target(%arg8 : memref<128xi32, #tpu.memory_space<vmem>>) target_semaphore(%run_scoped3A : memref<!tpu.dma_semaphore, #tpu.memory_space<semaphore_mem>>)
      %dma_wait3A_112 = tpu.memref_slice %arg2[%add3A_57] : memref<16384xi32, #tpu.memory_space<hbm>> -> memref<128xi32, #tpu.memory_space<hbm>>
      %dma_wait3A_113 = tpu.memref_slice %arg2[%add3A_57] : memref<16384xi32, #tpu.memory_space<hbm>> -> memref<128xi32, #tpu.memory_space<hbm>>
      tpu.wait_dma2 semaphore(%run_scoped3A : memref<!tpu.dma_semaphore, #tpu.memory_space<semaphore_mem>>) src(%dma_wait3A_113 : memref<128xi32, #tpu.memory_space<hbm>>) dst(%arg8 : memref<128xi32, #tpu.memory_space<vmem>>)
      tpu.yield
    }) : () -> ()
    "tpu.region"() ({
      %run_scoped3A = tpu.sem_alloc : memref<!tpu.dma_semaphore, #tpu.memory_space<semaphore_mem>>
      %dma_start3A_110 = tpu.memref_slice %arg3[%add3A_57] : memref<16384xi32, #tpu.memory_space<hbm>> -> memref<128xi32, #tpu.memory_space<hbm>>
      %dma_start3A_111 = tpu.memref_slice %arg3[%add3A_57] : memref<16384xi32, #tpu.memory_space<hbm>> -> memref<128xi32, #tpu.memory_space<hbm>>
      tpu.enqueue_dma source(%dma_start3A_111 : memref<128xi32, #tpu.memory_space<hbm>>) target(%arg9 : memref<128xi32, #tpu.memory_space<vmem>>) target_semaphore(%run_scoped3A : memref<!tpu.dma_semaphore, #tpu.memory_space<semaphore_mem>>)
      %dma_wait3A_112 = tpu.memref_slice %arg3[%add3A_57] : memref<16384xi32, #tpu.memory_space<hbm>> -> memref<128xi32, #tpu.memory_space<hbm>>
      %dma_wait3A_113 = tpu.memref_slice %arg3[%add3A_57] : memref<16384xi32, #tpu.memory_space<hbm>> -> memref<128xi32, #tpu.memory_space<hbm>>
      tpu.wait_dma2 semaphore(%run_scoped3A : memref<!tpu.dma_semaphore, #tpu.memory_space<semaphore_mem>>) src(%dma_wait3A_113 : memref<128xi32, #tpu.memory_space<hbm>>) dst(%arg9 : memref<128xi32, #tpu.memory_space<vmem>>)
      tpu.yield
    }) : () -> ()
    "tpu.region"() ({
      %run_scoped3A = tpu.sem_alloc : memref<!tpu.dma_semaphore, #tpu.memory_space<semaphore_mem>>
      %dma_start3A_110 = tpu.memref_slice %arg4[%add3A_57] : memref<16384xi32, #tpu.memory_space<hbm>> -> memref<128xi32, #tpu.memory_space<hbm>>
      %dma_start3A_111 = tpu.memref_slice %arg4[%add3A_57] : memref<16384xi32, #tpu.memory_space<hbm>> -> memref<128xi32, #tpu.memory_space<hbm>>
      tpu.enqueue_dma source(%dma_start3A_111 : memref<128xi32, #tpu.memory_space<hbm>>) target(%arg10 : memref<128xi32, #tpu.memory_space<vmem>>) target_semaphore(%run_scoped3A : memref<!tpu.dma_semaphore, #tpu.memory_space<semaphore_mem>>)
      %dma_wait3A_112 = tpu.memref_slice %arg4[%add3A_57] : memref<16384xi32, #tpu.memory_space<hbm>> -> memref<128xi32, #tpu.memory_space<hbm>>
      %dma_wait3A_113 = tpu.memref_slice %arg4[%add3A_57] : memref<16384xi32, #tpu.memory_space<hbm>> -> memref<128xi32, #tpu.memory_space<hbm>>
      tpu.wait_dma2 semaphore(%run_scoped3A : memref<!tpu.dma_semaphore, #tpu.memory_space<semaphore_mem>>) src(%dma_wait3A_113 : memref<128xi32, #tpu.memory_space<hbm>>) dst(%arg10 : memref<128xi32, #tpu.memory_space<vmem>>)
      tpu.yield
    }) : () -> ()
    %dma_start3A_58 = arith.constant 0 : i32
    %dma_start3A_59 = arith.constant 0 : i32
    %dma_start3A_60 = tpu.memref_slice %arg5[%dma_start3A_58, %dma_start3A_59] : memref<1000000x128xf32, #tpu.memory_space<hbm>> -> memref<1000000x128xf32, #tpu.memory_space<hbm>>
    tpu.enqueue_indirect_dma source(%dma_start3A_60 : memref<1000000x128xf32, #tpu.memory_space<hbm>>) target(%arg11 : memref<128x128xf32, #tpu.memory_space<vmem>>) offsets(%arg8 : memref<128xi32, #tpu.memory_space<vmem>>) semaphore(%arg15 : memref<!tpu.dma_semaphore, #tpu.memory_space<semaphore_mem>>)
    %dma_start3A_61 = arith.constant 0 : i32
    %dma_start3A_62 = arith.constant 0 : i32
    %dma_start3A_63 = tpu.memref_slice %arg5[%dma_start3A_61, %dma_start3A_62] : memref<1000000x128xf32, #tpu.memory_space<hbm>> -> memref<1000000x128xf32, #tpu.memory_space<hbm>>
    tpu.enqueue_indirect_dma source(%dma_start3A_63 : memref<1000000x128xf32, #tpu.memory_space<hbm>>) target(%arg12 : memref<128x128xf32, #tpu.memory_space<vmem>>) offsets(%arg9 : memref<128xi32, #tpu.memory_space<vmem>>) semaphore(%arg15 : memref<!tpu.dma_semaphore, #tpu.memory_space<semaphore_mem>>)
    %dma_start3A_64 = arith.constant 0 : i32
    %dma_start3A_65 = arith.constant 0 : i32
    %dma_start3A_66 = tpu.memref_slice %arg6[%dma_start3A_64, %dma_start3A_65] : memref<1000x128xf32, #tpu.memory_space<hbm>> -> memref<1000x128xf32, #tpu.memory_space<hbm>>
    tpu.enqueue_indirect_dma source(%dma_start3A_66 : memref<1000x128xf32, #tpu.memory_space<hbm>>) target(%arg13 : memref<128x128xf32, #tpu.memory_space<vmem>>) offsets(%arg10 : memref<128xi32, #tpu.memory_space<vmem>>) semaphore(%arg15 : memref<!tpu.dma_semaphore, #tpu.memory_space<semaphore_mem>>)
    %dma_wait3A_67 = arith.constant 0 : i32
    %dma_wait3A_68 = arith.constant 0 : i32
    %dma_wait3A_69 = tpu.memref_slice %arg5[%dma_wait3A_67, %dma_wait3A_68] : memref<1000000x128xf32, #tpu.memory_space<hbm>> -> memref<1000000x128xf32, #tpu.memory_space<hbm>>
    tpu.wait_indirect_dma semaphore(%arg15 : memref<!tpu.dma_semaphore, #tpu.memory_space<semaphore_mem>>) src(%dma_wait3A_69 : memref<1000000x128xf32, #tpu.memory_space<hbm>>) dst(%arg11 : memref<128x128xf32, #tpu.memory_space<vmem>>)
    %dma_wait3A_70 = arith.constant 0 : i32
    %dma_wait3A_71 = arith.constant 0 : i32
    %dma_wait3A_72 = tpu.memref_slice %arg5[%dma_wait3A_70, %dma_wait3A_71] : memref<1000000x128xf32, #tpu.memory_space<hbm>> -> memref<1000000x128xf32, #tpu.memory_space<hbm>>
    tpu.wait_indirect_dma semaphore(%arg15 : memref<!tpu.dma_semaphore, #tpu.memory_space<semaphore_mem>>) src(%dma_wait3A_72 : memref<1000000x128xf32, #tpu.memory_space<hbm>>) dst(%arg12 : memref<128x128xf32, #tpu.memory_space<vmem>>)
    %dma_wait3A_73 = arith.constant 0 : i32
    %dma_wait3A_74 = arith.constant 0 : i32
    %dma_wait3A_75 = tpu.memref_slice %arg6[%dma_wait3A_73, %dma_wait3A_74] : memref<1000x128xf32, #tpu.memory_space<hbm>> -> memref<1000x128xf32, #tpu.memory_space<hbm>>
    tpu.wait_indirect_dma semaphore(%arg15 : memref<!tpu.dma_semaphore, #tpu.memory_space<semaphore_mem>>) src(%dma_wait3A_75 : memref<1000x128xf32, #tpu.memory_space<hbm>>) dst(%arg13 : memref<128x128xf32, #tpu.memory_space<vmem>>)
    %scan3A_76 = arith.constant 0 : i32
    %scan3A_77 = arith.constant 0 : i32
    %scan3A_78 = arith.constant 128 : i32
    %scan3A_79 = arith.addi %scan3A_77, %scan3A_78 : i32
    %scan3A_80 = arith.constant 1 : i32
    scf.for %scan3A_110 = %scan3A_77 to %scan3A_79 step %scan3A_80  : i32 {
      %broadcast_in_dim3A = arith.constant 0.000000e+00 : f32
      %broadcast_in_dim3A_111 = vector.broadcast %broadcast_in_dim3A : f32 to vector<16xf32>
      %get3A = arith.index_cast %scan3A_110 : i32 to index
      %get3A_112 = arith.constant 0 : index
      %get3A_113 = tpu.vector_load %arg11[%get3A, %get3A_112] {strides = array<i32>} : memref<128x128xf32, #tpu.memory_space<vmem>>, vector<1x16xf32>,
      %get3A_114 = vector.shape_cast %get3A_113 : vector<1x16xf32> to vector<16xf32>
      %get3A_115 = arith.index_cast %scan3A_110 : i32 to index
      %get3A_116 = arith.constant 64 : index
      %get3A_117 = tpu.vector_load %arg11[%get3A_115, %get3A_116] {strides = array<i32>} : memref<128x128xf32, #tpu.memory_space<vmem>>, vector<1x16xf32>,
      %get3A_118 = vector.shape_cast %get3A_117 : vector<1x16xf32> to vector<16xf32>
      %get3A_119 = arith.index_cast %scan3A_110 : i32 to index
      %get3A_120 = arith.constant 0 : index
      %get3A_121 = tpu.vector_load %arg12[%get3A_119, %get3A_120] {strides = array<i32>} : memref<128x128xf32, #tpu.memory_space<vmem>>, vector<1x16xf32>,
      %get3A_122 = vector.shape_cast %get3A_121 : vector<1x16xf32> to vector<16xf32>
      %get3A_123 = arith.index_cast %scan3A_110 : i32 to index
      %get3A_124 = arith.constant 64 : index
      %get3A_125 = tpu.vector_load %arg12[%get3A_123, %get3A_124] {strides = array<i32>} : memref<128x128xf32, #tpu.memory_space<vmem>>, vector<1x16xf32>,
      %get3A_126 = vector.shape_cast %get3A_125 : vector<1x16xf32> to vector<16xf32>
      %get3A_127 = arith.index_cast %scan3A_110 : i32 to index
      %get3A_128 = arith.constant 0 : index
      %get3A_129 = tpu.vector_load %arg13[%get3A_127, %get3A_128] {strides = array<i32>} : memref<128x128xf32, #tpu.memory_space<vmem>>, vector<1x16xf32>,
      %get3A_130 = vector.shape_cast %get3A_129 : vector<1x16xf32> to vector<16xf32>
      %get3A_131 = arith.index_cast %scan3A_110 : i32 to index
      %get3A_132 = arith.constant 64 : index
      %get3A_133 = tpu.vector_load %arg13[%get3A_131, %get3A_132] {strides = array<i32>} : memref<128x128xf32, #tpu.memory_space<vmem>>, vector<1x16xf32>,
      %get3A_134 = vector.shape_cast %get3A_133 : vector<1x16xf32> to vector<16xf32>
      %mul3A_135 = arith.mulf %get3A_114, %get3A_122 : vector<16xf32>
      %mul3A_136 = arith.mulf %get3A_118, %get3A_126 : vector<16xf32>
      %add3A_137 = arith.addf %mul3A_135, %mul3A_136 : vector<16xf32>
      %mul3A_138 = arith.mulf %get3A_130, %add3A_137 : vector<16xf32>
      %add3A_139 = arith.addf %broadcast_in_dim3A_111, %mul3A_138 : vector<16xf32>
      %mul3A_140 = arith.mulf %get3A_114, %get3A_126 : vector<16xf32>
      %mul3A_141 = arith.mulf %get3A_118, %get3A_122 : vector<16xf32>
      %sub3A = arith.subf %mul3A_140, %mul3A_141 : vector<16xf32>
      %mul3A_142 = arith.mulf %get3A_134, %sub3A : vector<16xf32>
      %add3A_143 = arith.addf %add3A_139, %mul3A_142 : vector<16xf32>
      %get3A_144 = arith.index_cast %scan3A_110 : i32 to index
      %get3A_145 = arith.constant 16 : index
      %get3A_146 = tpu.vector_load %arg11[%get3A_144, %get3A_145] {strides = array<i32>} : memref<128x128xf32, #tpu.memory_space<vmem>>, vector<1x16xf32>,
      %get3A_147 = vector.shape_cast %get3A_146 : vector<1x16xf32> to vector<16xf32>
      %get3A_148 = arith.index_cast %scan3A_110 : i32 to index
      %get3A_149 = arith.constant 80 : index
      %get3A_150 = tpu.vector_load %arg11[%get3A_148, %get3A_149] {strides = array<i32>} : memref<128x128xf32, #tpu.memory_space<vmem>>, vector<1x16xf32>,
      %get3A_151 = vector.shape_cast %get3A_150 : vector<1x16xf32> to vector<16xf32>
      %get3A_152 = arith.index_cast %scan3A_110 : i32 to index
      %get3A_153 = arith.constant 16 : index
      %get3A_154 = tpu.vector_load %arg12[%get3A_152, %get3A_153] {strides = array<i32>} : memref<128x128xf32, #tpu.memory_space<vmem>>, vector<1x16xf32>,
      %get3A_155 = vector.shape_cast %get3A_154 : vector<1x16xf32> to vector<16xf32>
      %get3A_156 = arith.index_cast %scan3A_110 : i32 to index
      %get3A_157 = arith.constant 80 : index
      %get3A_158 = tpu.vector_load %arg12[%get3A_156, %get3A_157] {strides = array<i32>} : memref<128x128xf32, #tpu.memory_space<vmem>>, vector<1x16xf32>,
      %get3A_159 = vector.shape_cast %get3A_158 : vector<1x16xf32> to vector<16xf32>
      %get3A_160 = arith.index_cast %scan3A_110 : i32 to index
      %get3A_161 = arith.constant 16 : index
      %get3A_162 = tpu.vector_load %arg13[%get3A_160, %get3A_161] {strides = array<i32>} : memref<128x128xf32, #tpu.memory_space<vmem>>, vector<1x16xf32>,
      %get3A_163 = vector.shape_cast %get3A_162 : vector<1x16xf32> to vector<16xf32>
      %get3A_164 = arith.index_cast %scan3A_110 : i32 to index
      %get3A_165 = arith.constant 80 : index
      %get3A_166 = tpu.vector_load %arg13[%get3A_164, %get3A_165] {strides = array<i32>} : memref<128x128xf32, #tpu.memory_space<vmem>>, vector<1x16xf32>,
      %get3A_167 = vector.shape_cast %get3A_166 : vector<1x16xf32> to vector<16xf32>
      %mul3A_168 = arith.mulf %get3A_147, %get3A_155 : vector<16xf32>
      %mul3A_169 = arith.mulf %get3A_151, %get3A_159 : vector<16xf32>
      %add3A_170 = arith.addf %mul3A_168, %mul3A_169 : vector<16xf32>
      %mul3A_171 = arith.mulf %get3A_163, %add3A_170 : vector<16xf32>
      %add3A_172 = arith.addf %add3A_143, %mul3A_171 : vector<16xf32>
      %mul3A_173 = arith.mulf %get3A_147, %get3A_159 : vector<16xf32>
      %mul3A_174 = arith.mulf %get3A_151, %get3A_155 : vector<16xf32>
      %sub3A_175 = arith.subf %mul3A_173, %mul3A_174 : vector<16xf32>
      %mul3A_176 = arith.mulf %get3A_167, %sub3A_175 : vector<16xf32>
      %add3A_177 = arith.addf %add3A_172, %mul3A_176 : vector<16xf32>
      %get3A_178 = arith.index_cast %scan3A_110 : i32 to index
      %get3A_179 = arith.constant 32 : index
      %get3A_180 = tpu.vector_load %arg11[%get3A_178, %get3A_179] {strides = array<i32>} : memref<128x128xf32, #tpu.memory_space<vmem>>, vector<1x16xf32>,
      %get3A_181 = vector.shape_cast %get3A_180 : vector<1x16xf32> to vector<16xf32>
      %get3A_182 = arith.index_cast %scan3A_110 : i32 to index
      %get3A_183 = arith.constant 96 : index
      %get3A_184 = tpu.vector_load %arg11[%get3A_182, %get3A_183] {strides = array<i32>} : memref<128x128xf32, #tpu.memory_space<vmem>>, vector<1x16xf32>,
      %get3A_185 = vector.shape_cast %get3A_184 : vector<1x16xf32> to vector<16xf32>
      %get3A_186 = arith.index_cast %scan3A_110 : i32 to index
      %get3A_187 = arith.constant 32 : index
      %get3A_188 = tpu.vector_load %arg12[%get3A_186, %get3A_187] {strides = array<i32>} : memref<128x128xf32, #tpu.memory_space<vmem>>, vector<1x16xf32>,
      %get3A_189 = vector.shape_cast %get3A_188 : vector<1x16xf32> to vector<16xf32>
      %get3A_190 = arith.index_cast %scan3A_110 : i32 to index
      %get3A_191 = arith.constant 96 : index
      %get3A_192 = tpu.vector_load %arg12[%get3A_190, %get3A_191] {strides = array<i32>} : memref<128x128xf32, #tpu.memory_space<vmem>>, vector<1x16xf32>,
      %get3A_193 = vector.shape_cast %get3A_192 : vector<1x16xf32> to vector<16xf32>
      %get3A_194 = arith.index_cast %scan3A_110 : i32 to index
      %get3A_195 = arith.constant 32 : index
      %get3A_196 = tpu.vector_load %arg13[%get3A_194, %get3A_195] {strides = array<i32>} : memref<128x128xf32, #tpu.memory_space<vmem>>, vector<1x16xf32>,
      %get3A_197 = vector.shape_cast %get3A_196 : vector<1x16xf32> to vector<16xf32>
      %get3A_198 = arith.index_cast %scan3A_110 : i32 to index
      %get3A_199 = arith.constant 96 : index
      %get3A_200 = tpu.vector_load %arg13[%get3A_198, %get3A_199] {strides = array<i32>} : memref<128x128xf32, #tpu.memory_space<vmem>>, vector<1x16xf32>,
      %get3A_201 = vector.shape_cast %get3A_200 : vector<1x16xf32> to vector<16xf32>
      %mul3A_202 = arith.mulf %get3A_181, %get3A_189 : vector<16xf32>
      %mul3A_203 = arith.mulf %get3A_185, %get3A_193 : vector<16xf32>
      %add3A_204 = arith.addf %mul3A_202, %mul3A_203 : vector<16xf32>
      %mul3A_205 = arith.mulf %get3A_197, %add3A_204 : vector<16xf32>
      %add3A_206 = arith.addf %add3A_177, %mul3A_205 : vector<16xf32>
      %mul3A_207 = arith.mulf %get3A_181, %get3A_193 : vector<16xf32>
      %mul3A_208 = arith.mulf %get3A_185, %get3A_189 : vector<16xf32>
      %sub3A_209 = arith.subf %mul3A_207, %mul3A_208 : vector<16xf32>
      %mul3A_210 = arith.mulf %get3A_201, %sub3A_209 : vector<16xf32>
      %add3A_211 = arith.addf %add3A_206, %mul3A_210 : vector<16xf32>
      %get3A_212 = arith.index_cast %scan3A_110 : i32 to index
      %get3A_213 = arith.constant 48 : index
      %get3A_214 = tpu.vector_load %arg11[%get3A_212, %get3A_213] {strides = array<i32>} : memref<128x128xf32, #tpu.memory_space<vmem>>, vector<1x16xf32>,
      %get3A_215 = vector.shape_cast %get3A_214 : vector<1x16xf32> to vector<16xf32>
      %get3A_216 = arith.index_cast %scan3A_110 : i32 to index
      %get3A_217 = arith.constant 112 : index
      %get3A_218 = tpu.vector_load %arg11[%get3A_216, %get3A_217] {strides = array<i32>} : memref<128x128xf32, #tpu.memory_space<vmem>>, vector<1x16xf32>,
      %get3A_219 = vector.shape_cast %get3A_218 : vector<1x16xf32> to vector<16xf32>
      %get3A_220 = arith.index_cast %scan3A_110 : i32 to index
      %get3A_221 = arith.constant 48 : index
      %get3A_222 = tpu.vector_load %arg12[%get3A_220, %get3A_221] {strides = array<i32>} : memref<128x128xf32, #tpu.memory_space<vmem>>, vector<1x16xf32>,
      %get3A_223 = vector.shape_cast %get3A_222 : vector<1x16xf32> to vector<16xf32>
      %get3A_224 = arith.index_cast %scan3A_110 : i32 to index
      %get3A_225 = arith.constant 112 : index
      %get3A_226 = tpu.vector_load %arg12[%get3A_224, %get3A_225] {strides = array<i32>} : memref<128x128xf32, #tpu.memory_space<vmem>>, vector<1x16xf32>,
      %get3A_227 = vector.shape_cast %get3A_226 : vector<1x16xf32> to vector<16xf32>
      %get3A_228 = arith.index_cast %scan3A_110 : i32 to index
      %get3A_229 = arith.constant 48 : index
      %get3A_230 = tpu.vector_load %arg13[%get3A_228, %get3A_229] {strides = array<i32>} : memref<128x128xf32, #tpu.memory_space<vmem>>, vector<1x16xf32>,
      %get3A_231 = vector.shape_cast %get3A_230 : vector<1x16xf32> to vector<16xf32>
      %get3A_232 = arith.index_cast %scan3A_110 : i32 to index
      %get3A_233 = arith.constant 112 : index
      %get3A_234 = tpu.vector_load %arg13[%get3A_232, %get3A_233] {strides = array<i32>} : memref<128x128xf32, #tpu.memory_space<vmem>>, vector<1x16xf32>,
      %get3A_235 = vector.shape_cast %get3A_234 : vector<1x16xf32> to vector<16xf32>
      %mul3A_236 = arith.mulf %get3A_215, %get3A_223 : vector<16xf32>
      %mul3A_237 = arith.mulf %get3A_219, %get3A_227 : vector<16xf32>
      %add3A_238 = arith.addf %mul3A_236, %mul3A_237 : vector<16xf32>
      %mul3A_239 = arith.mulf %get3A_231, %add3A_238 : vector<16xf32>
      %add3A_240 = arith.addf %add3A_211, %mul3A_239 : vector<16xf32>
      %mul3A_241 = arith.mulf %get3A_215, %get3A_227 : vector<16xf32>
      %mul3A_242 = arith.mulf %get3A_219, %get3A_223 : vector<16xf32>
      %sub3A_243 = arith.subf %mul3A_241, %mul3A_242 : vector<16xf32>
      %mul3A_244 = arith.mulf %get3A_235, %sub3A_243 : vector<16xf32>
      %add3A_245 = arith.addf %add3A_240, %mul3A_244 : vector<16xf32>
      %swap3A = arith.index_cast %scan3A_110 : i32 to index
      %swap3A_246 = arith.constant 0 : index
      %swap3A_247 = tpu.vector_load %arg14[%swap3A, %swap3A_246] {strides = array<i32>} : memref<128x16xf32, #tpu.memory_space<vmem>>, vector<1x16xf32>,
      %swap3A_248 = vector.shape_cast %swap3A_247 : vector<1x16xf32> to vector<16xf32>
      %swap3A_249 = vector.shape_cast %add3A_245 : vector<16xf32> to vector<1x16xf32>
      tpu.vector_store %arg14[%swap3A, %swap3A_246], %swap3A_249 {strides = array<i32>} : memref<128x16xf32, #tpu.memory_space<vmem>>, vector<1x16xf32>,
    }
    %scan3A_81 = arith.constant 128 : i32
    "tpu.region"() ({
      %run_scoped3A = tpu.sem_alloc : memref<!tpu.dma_semaphore, #tpu.memory_space<semaphore_mem>>
      %dma_start3A_110 = arith.constant 0 : i32
      %dma_start3A_111 = tpu.memref_slice %arg7[%add3A_57, %dma_start3A_110] : memref<16384x16xf32, #tpu.memory_space<hbm>> -> memref<128x16xf32, #tpu.memory_space<hbm>>
      %dma_start3A_112 = arith.constant 0 : i32
      %dma_start3A_113 = tpu.memref_slice %arg7[%add3A_57, %dma_start3A_112] : memref<16384x16xf32, #tpu.memory_space<hbm>> -> memref<128x16xf32, #tpu.memory_space<hbm>>
      tpu.enqueue_dma source(%arg14 : memref<128x16xf32, #tpu.memory_space<vmem>>) target(%dma_start3A_113 : memref<128x16xf32, #tpu.memory_space<hbm>>) target_semaphore(%run_scoped3A : memref<!tpu.dma_semaphore, #tpu.memory_space<semaphore_mem>>)
      %dma_wait3A_114 = arith.constant 0 : i32
      %dma_wait3A_115 = tpu.memref_slice %arg7[%add3A_57, %dma_wait3A_114] : memref<16384x16xf32, #tpu.memory_space<hbm>> -> memref<128x16xf32, #tpu.memory_space<hbm>>
      %dma_wait3A_116 = arith.constant 0 : i32
      %dma_wait3A_117 = tpu.memref_slice %arg7[%add3A_57, %dma_wait3A_116] : memref<16384x16xf32, #tpu.memory_space<hbm>> -> memref<128x16xf32, #tpu.memory_space<hbm>>
      tpu.wait_dma2 semaphore(%run_scoped3A : memref<!tpu.dma_semaphore, #tpu.memory_space<semaphore_mem>>) src(%arg14 : memref<128x16xf32, #tpu.memory_space<vmem>>) dst(%dma_wait3A_117 : memref<128x16xf32, #tpu.memory_space<hbm>>)
      tpu.yield
    }) : () -> ()
    %mul3A_82 = arith.constant 512 : i32
    %mul3A_83 = arith.muli %add3A, %mul3A_82 : i32
    %add3A_84 = arith.constant 384 : i32
    %add3A_85 = arith.addi %mul3A_83, %add3A_84 : i32
    "tpu.region"() ({
      %run_scoped3A = tpu.sem_alloc : memref<!tpu.dma_semaphore, #tpu.memory_space<semaphore_mem>>
      %dma_start3A_110 = tpu.memref_slice %arg2[%add3A_85] : memref<16384xi32, #tpu.memory_space<hbm>> -> memref<128xi32, #tpu.memory_space<hbm>>
      %dma_start3A_111 = tpu.memref_slice %arg2[%add3A_85] : memref<16384xi32, #tpu.memory_space<hbm>> -> memref<128xi32, #tpu.memory_space<hbm>>
      tpu.enqueue_dma source(%dma_start3A_111 : memref<128xi32, #tpu.memory_space<hbm>>) target(%arg8 : memref<128xi32, #tpu.memory_space<vmem>>) target_semaphore(%run_scoped3A : memref<!tpu.dma_semaphore, #tpu.memory_space<semaphore_mem>>)
      %dma_wait3A_112 = tpu.memref_slice %arg2[%add3A_85] : memref<16384xi32, #tpu.memory_space<hbm>> -> memref<128xi32, #tpu.memory_space<hbm>>
      %dma_wait3A_113 = tpu.memref_slice %arg2[%add3A_85] : memref<16384xi32, #tpu.memory_space<hbm>> -> memref<128xi32, #tpu.memory_space<hbm>>
      tpu.wait_dma2 semaphore(%run_scoped3A : memref<!tpu.dma_semaphore, #tpu.memory_space<semaphore_mem>>) src(%dma_wait3A_113 : memref<128xi32, #tpu.memory_space<hbm>>) dst(%arg8 : memref<128xi32, #tpu.memory_space<vmem>>)
      tpu.yield
    }) : () -> ()
    "tpu.region"() ({
      %run_scoped3A = tpu.sem_alloc : memref<!tpu.dma_semaphore, #tpu.memory_space<semaphore_mem>>
      %dma_start3A_110 = tpu.memref_slice %arg3[%add3A_85] : memref<16384xi32, #tpu.memory_space<hbm>> -> memref<128xi32, #tpu.memory_space<hbm>>
      %dma_start3A_111 = tpu.memref_slice %arg3[%add3A_85] : memref<16384xi32, #tpu.memory_space<hbm>> -> memref<128xi32, #tpu.memory_space<hbm>>
      tpu.enqueue_dma source(%dma_start3A_111 : memref<128xi32, #tpu.memory_space<hbm>>) target(%arg9 : memref<128xi32, #tpu.memory_space<vmem>>) target_semaphore(%run_scoped3A : memref<!tpu.dma_semaphore, #tpu.memory_space<semaphore_mem>>)
      %dma_wait3A_112 = tpu.memref_slice %arg3[%add3A_85] : memref<16384xi32, #tpu.memory_space<hbm>> -> memref<128xi32, #tpu.memory_space<hbm>>
      %dma_wait3A_113 = tpu.memref_slice %arg3[%add3A_85] : memref<16384xi32, #tpu.memory_space<hbm>> -> memref<128xi32, #tpu.memory_space<hbm>>
      tpu.wait_dma2 semaphore(%run_scoped3A : memref<!tpu.dma_semaphore, #tpu.memory_space<semaphore_mem>>) src(%dma_wait3A_113 : memref<128xi32, #tpu.memory_space<hbm>>) dst(%arg9 : memref<128xi32, #tpu.memory_space<vmem>>)
      tpu.yield
    }) : () -> ()
    "tpu.region"() ({
      %run_scoped3A = tpu.sem_alloc : memref<!tpu.dma_semaphore, #tpu.memory_space<semaphore_mem>>
      %dma_start3A_110 = tpu.memref_slice %arg4[%add3A_85] : memref<16384xi32, #tpu.memory_space<hbm>> -> memref<128xi32, #tpu.memory_space<hbm>>
      %dma_start3A_111 = tpu.memref_slice %arg4[%add3A_85] : memref<16384xi32, #tpu.memory_space<hbm>> -> memref<128xi32, #tpu.memory_space<hbm>>
      tpu.enqueue_dma source(%dma_start3A_111 : memref<128xi32, #tpu.memory_space<hbm>>) target(%arg10 : memref<128xi32, #tpu.memory_space<vmem>>) target_semaphore(%run_scoped3A : memref<!tpu.dma_semaphore, #tpu.memory_space<semaphore_mem>>)
      %dma_wait3A_112 = tpu.memref_slice %arg4[%add3A_85] : memref<16384xi32, #tpu.memory_space<hbm>> -> memref<128xi32, #tpu.memory_space<hbm>>
      %dma_wait3A_113 = tpu.memref_slice %arg4[%add3A_85] : memref<16384xi32, #tpu.memory_space<hbm>> -> memref<128xi32, #tpu.memory_space<hbm>>
      tpu.wait_dma2 semaphore(%run_scoped3A : memref<!tpu.dma_semaphore, #tpu.memory_space<semaphore_mem>>) src(%dma_wait3A_113 : memref<128xi32, #tpu.memory_space<hbm>>) dst(%arg10 : memref<128xi32, #tpu.memory_space<vmem>>)
      tpu.yield
    }) : () -> ()
    %dma_start3A_86 = arith.constant 0 : i32
    %dma_start3A_87 = arith.constant 0 : i32
    %dma_start3A_88 = tpu.memref_slice %arg5[%dma_start3A_86, %dma_start3A_87] : memref<1000000x128xf32, #tpu.memory_space<hbm>> -> memref<1000000x128xf32, #tpu.memory_space<hbm>>
    tpu.enqueue_indirect_dma source(%dma_start3A_88 : memref<1000000x128xf32, #tpu.memory_space<hbm>>) target(%arg11 : memref<128x128xf32, #tpu.memory_space<vmem>>) offsets(%arg8 : memref<128xi32, #tpu.memory_space<vmem>>) semaphore(%arg15 : memref<!tpu.dma_semaphore, #tpu.memory_space<semaphore_mem>>)
    %dma_start3A_89 = arith.constant 0 : i32
    %dma_start3A_90 = arith.constant 0 : i32
    %dma_start3A_91 = tpu.memref_slice %arg5[%dma_start3A_89, %dma_start3A_90] : memref<1000000x128xf32, #tpu.memory_space<hbm>> -> memref<1000000x128xf32, #tpu.memory_space<hbm>>
    tpu.enqueue_indirect_dma source(%dma_start3A_91 : memref<1000000x128xf32, #tpu.memory_space<hbm>>) target(%arg12 : memref<128x128xf32, #tpu.memory_space<vmem>>) offsets(%arg9 : memref<128xi32, #tpu.memory_space<vmem>>) semaphore(%arg15 : memref<!tpu.dma_semaphore, #tpu.memory_space<semaphore_mem>>)
    %dma_start3A_92 = arith.constant 0 : i32
    %dma_start3A_93 = arith.constant 0 : i32
    %dma_start3A_94 = tpu.memref_slice %arg6[%dma_start3A_92, %dma_start3A_93] : memref<1000x128xf32, #tpu.memory_space<hbm>> -> memref<1000x128xf32, #tpu.memory_space<hbm>>
    tpu.enqueue_indirect_dma source(%dma_start3A_94 : memref<1000x128xf32, #tpu.memory_space<hbm>>) target(%arg13 : memref<128x128xf32, #tpu.memory_space<vmem>>) offsets(%arg10 : memref<128xi32, #tpu.memory_space<vmem>>) semaphore(%arg15 : memref<!tpu.dma_semaphore, #tpu.memory_space<semaphore_mem>>)
    %dma_wait3A_95 = arith.constant 0 : i32
    %dma_wait3A_96 = arith.constant 0 : i32
    %dma_wait3A_97 = tpu.memref_slice %arg5[%dma_wait3A_95, %dma_wait3A_96] : memref<1000000x128xf32, #tpu.memory_space<hbm>> -> memref<1000000x128xf32, #tpu.memory_space<hbm>>
    tpu.wait_indirect_dma semaphore(%arg15 : memref<!tpu.dma_semaphore, #tpu.memory_space<semaphore_mem>>) src(%dma_wait3A_97 : memref<1000000x128xf32, #tpu.memory_space<hbm>>) dst(%arg11 : memref<128x128xf32, #tpu.memory_space<vmem>>)
    %dma_wait3A_98 = arith.constant 0 : i32
    %dma_wait3A_99 = arith.constant 0 : i32
    %dma_wait3A_100 = tpu.memref_slice %arg5[%dma_wait3A_98, %dma_wait3A_99] : memref<1000000x128xf32, #tpu.memory_space<hbm>> -> memref<1000000x128xf32, #tpu.memory_space<hbm>>
    tpu.wait_indirect_dma semaphore(%arg15 : memref<!tpu.dma_semaphore, #tpu.memory_space<semaphore_mem>>) src(%dma_wait3A_100 : memref<1000000x128xf32, #tpu.memory_space<hbm>>) dst(%arg12 : memref<128x128xf32, #tpu.memory_space<vmem>>)
    %dma_wait3A_101 = arith.constant 0 : i32
    %dma_wait3A_102 = arith.constant 0 : i32
    %dma_wait3A_103 = tpu.memref_slice %arg6[%dma_wait3A_101, %dma_wait3A_102] : memref<1000x128xf32, #tpu.memory_space<hbm>> -> memref<1000x128xf32, #tpu.memory_space<hbm>>
    tpu.wait_indirect_dma semaphore(%arg15 : memref<!tpu.dma_semaphore, #tpu.memory_space<semaphore_mem>>) src(%dma_wait3A_103 : memref<1000x128xf32, #tpu.memory_space<hbm>>) dst(%arg13 : memref<128x128xf32, #tpu.memory_space<vmem>>)
    %scan3A_104 = arith.constant 0 : i32
    %scan3A_105 = arith.constant 0 : i32
    %scan3A_106 = arith.constant 128 : i32
    %scan3A_107 = arith.addi %scan3A_105, %scan3A_106 : i32
    %scan3A_108 = arith.constant 1 : i32
    scf.for %scan3A_110 = %scan3A_105 to %scan3A_107 step %scan3A_108  : i32 {
      %broadcast_in_dim3A = arith.constant 0.000000e+00 : f32
      %broadcast_in_dim3A_111 = vector.broadcast %broadcast_in_dim3A : f32 to vector<16xf32>
      %get3A = arith.index_cast %scan3A_110 : i32 to index
      %get3A_112 = arith.constant 0 : index
      %get3A_113 = tpu.vector_load %arg11[%get3A, %get3A_112] {strides = array<i32>} : memref<128x128xf32, #tpu.memory_space<vmem>>, vector<1x16xf32>,
      %get3A_114 = vector.shape_cast %get3A_113 : vector<1x16xf32> to vector<16xf32>
      %get3A_115 = arith.index_cast %scan3A_110 : i32 to index
      %get3A_116 = arith.constant 64 : index
      %get3A_117 = tpu.vector_load %arg11[%get3A_115, %get3A_116] {strides = array<i32>} : memref<128x128xf32, #tpu.memory_space<vmem>>, vector<1x16xf32>,
      %get3A_118 = vector.shape_cast %get3A_117 : vector<1x16xf32> to vector<16xf32>
      %get3A_119 = arith.index_cast %scan3A_110 : i32 to index
      %get3A_120 = arith.constant 0 : index
      %get3A_121 = tpu.vector_load %arg12[%get3A_119, %get3A_120] {strides = array<i32>} : memref<128x128xf32, #tpu.memory_space<vmem>>, vector<1x16xf32>,
      %get3A_122 = vector.shape_cast %get3A_121 : vector<1x16xf32> to vector<16xf32>
      %get3A_123 = arith.index_cast %scan3A_110 : i32 to index
      %get3A_124 = arith.constant 64 : index
      %get3A_125 = tpu.vector_load %arg12[%get3A_123, %get3A_124] {strides = array<i32>} : memref<128x128xf32, #tpu.memory_space<vmem>>, vector<1x16xf32>,
      %get3A_126 = vector.shape_cast %get3A_125 : vector<1x16xf32> to vector<16xf32>
      %get3A_127 = arith.index_cast %scan3A_110 : i32 to index
      %get3A_128 = arith.constant 0 : index
      %get3A_129 = tpu.vector_load %arg13[%get3A_127, %get3A_128] {strides = array<i32>} : memref<128x128xf32, #tpu.memory_space<vmem>>, vector<1x16xf32>,
      %get3A_130 = vector.shape_cast %get3A_129 : vector<1x16xf32> to vector<16xf32>
      %get3A_131 = arith.index_cast %scan3A_110 : i32 to index
      %get3A_132 = arith.constant 64 : index
      %get3A_133 = tpu.vector_load %arg13[%get3A_131, %get3A_132] {strides = array<i32>} : memref<128x128xf32, #tpu.memory_space<vmem>>, vector<1x16xf32>,
      %get3A_134 = vector.shape_cast %get3A_133 : vector<1x16xf32> to vector<16xf32>
      %mul3A_135 = arith.mulf %get3A_114, %get3A_122 : vector<16xf32>
      %mul3A_136 = arith.mulf %get3A_118, %get3A_126 : vector<16xf32>
      %add3A_137 = arith.addf %mul3A_135, %mul3A_136 : vector<16xf32>
      %mul3A_138 = arith.mulf %get3A_130, %add3A_137 : vector<16xf32>
      %add3A_139 = arith.addf %broadcast_in_dim3A_111, %mul3A_138 : vector<16xf32>
      %mul3A_140 = arith.mulf %get3A_114, %get3A_126 : vector<16xf32>
      %mul3A_141 = arith.mulf %get3A_118, %get3A_122 : vector<16xf32>
      %sub3A = arith.subf %mul3A_140, %mul3A_141 : vector<16xf32>
      %mul3A_142 = arith.mulf %get3A_134, %sub3A : vector<16xf32>
      %add3A_143 = arith.addf %add3A_139, %mul3A_142 : vector<16xf32>
      %get3A_144 = arith.index_cast %scan3A_110 : i32 to index
      %get3A_145 = arith.constant 16 : index
      %get3A_146 = tpu.vector_load %arg11[%get3A_144, %get3A_145] {strides = array<i32>} : memref<128x128xf32, #tpu.memory_space<vmem>>, vector<1x16xf32>,
      %get3A_147 = vector.shape_cast %get3A_146 : vector<1x16xf32> to vector<16xf32>
      %get3A_148 = arith.index_cast %scan3A_110 : i32 to index
      %get3A_149 = arith.constant 80 : index
      %get3A_150 = tpu.vector_load %arg11[%get3A_148, %get3A_149] {strides = array<i32>} : memref<128x128xf32, #tpu.memory_space<vmem>>, vector<1x16xf32>,
      %get3A_151 = vector.shape_cast %get3A_150 : vector<1x16xf32> to vector<16xf32>
      %get3A_152 = arith.index_cast %scan3A_110 : i32 to index
      %get3A_153 = arith.constant 16 : index
      %get3A_154 = tpu.vector_load %arg12[%get3A_152, %get3A_153] {strides = array<i32>} : memref<128x128xf32, #tpu.memory_space<vmem>>, vector<1x16xf32>,
      %get3A_155 = vector.shape_cast %get3A_154 : vector<1x16xf32> to vector<16xf32>
      %get3A_156 = arith.index_cast %scan3A_110 : i32 to index
      %get3A_157 = arith.constant 80 : index
      %get3A_158 = tpu.vector_load %arg12[%get3A_156, %get3A_157] {strides = array<i32>} : memref<128x128xf32, #tpu.memory_space<vmem>>, vector<1x16xf32>,
      %get3A_159 = vector.shape_cast %get3A_158 : vector<1x16xf32> to vector<16xf32>
      %get3A_160 = arith.index_cast %scan3A_110 : i32 to index
      %get3A_161 = arith.constant 16 : index
      %get3A_162 = tpu.vector_load %arg13[%get3A_160, %get3A_161] {strides = array<i32>} : memref<128x128xf32, #tpu.memory_space<vmem>>, vector<1x16xf32>,
      %get3A_163 = vector.shape_cast %get3A_162 : vector<1x16xf32> to vector<16xf32>
      %get3A_164 = arith.index_cast %scan3A_110 : i32 to index
      %get3A_165 = arith.constant 80 : index
      %get3A_166 = tpu.vector_load %arg13[%get3A_164, %get3A_165] {strides = array<i32>} : memref<128x128xf32, #tpu.memory_space<vmem>>, vector<1x16xf32>,
      %get3A_167 = vector.shape_cast %get3A_166 : vector<1x16xf32> to vector<16xf32>
      %mul3A_168 = arith.mulf %get3A_147, %get3A_155 : vector<16xf32>
      %mul3A_169 = arith.mulf %get3A_151, %get3A_159 : vector<16xf32>
      %add3A_170 = arith.addf %mul3A_168, %mul3A_169 : vector<16xf32>
      %mul3A_171 = arith.mulf %get3A_163, %add3A_170 : vector<16xf32>
      %add3A_172 = arith.addf %add3A_143, %mul3A_171 : vector<16xf32>
      %mul3A_173 = arith.mulf %get3A_147, %get3A_159 : vector<16xf32>
      %mul3A_174 = arith.mulf %get3A_151, %get3A_155 : vector<16xf32>
      %sub3A_175 = arith.subf %mul3A_173, %mul3A_174 : vector<16xf32>
      %mul3A_176 = arith.mulf %get3A_167, %sub3A_175 : vector<16xf32>
      %add3A_177 = arith.addf %add3A_172, %mul3A_176 : vector<16xf32>
      %get3A_178 = arith.index_cast %scan3A_110 : i32 to index
      %get3A_179 = arith.constant 32 : index
      %get3A_180 = tpu.vector_load %arg11[%get3A_178, %get3A_179] {strides = array<i32>} : memref<128x128xf32, #tpu.memory_space<vmem>>, vector<1x16xf32>,
      %get3A_181 = vector.shape_cast %get3A_180 : vector<1x16xf32> to vector<16xf32>
      %get3A_182 = arith.index_cast %scan3A_110 : i32 to index
      %get3A_183 = arith.constant 96 : index
      %get3A_184 = tpu.vector_load %arg11[%get3A_182, %get3A_183] {strides = array<i32>} : memref<128x128xf32, #tpu.memory_space<vmem>>, vector<1x16xf32>,
      %get3A_185 = vector.shape_cast %get3A_184 : vector<1x16xf32> to vector<16xf32>
      %get3A_186 = arith.index_cast %scan3A_110 : i32 to index
      %get3A_187 = arith.constant 32 : index
      %get3A_188 = tpu.vector_load %arg12[%get3A_186, %get3A_187] {strides = array<i32>} : memref<128x128xf32, #tpu.memory_space<vmem>>, vector<1x16xf32>,
      %get3A_189 = vector.shape_cast %get3A_188 : vector<1x16xf32> to vector<16xf32>
      %get3A_190 = arith.index_cast %scan3A_110 : i32 to index
      %get3A_191 = arith.constant 96 : index
      %get3A_192 = tpu.vector_load %arg12[%get3A_190, %get3A_191] {strides = array<i32>} : memref<128x128xf32, #tpu.memory_space<vmem>>, vector<1x16xf32>,
      %get3A_193 = vector.shape_cast %get3A_192 : vector<1x16xf32> to vector<16xf32>
      %get3A_194 = arith.index_cast %scan3A_110 : i32 to index
      %get3A_195 = arith.constant 32 : index
      %get3A_196 = tpu.vector_load %arg13[%get3A_194, %get3A_195] {strides = array<i32>} : memref<128x128xf32, #tpu.memory_space<vmem>>, vector<1x16xf32>,
      %get3A_197 = vector.shape_cast %get3A_196 : vector<1x16xf32> to vector<16xf32>
      %get3A_198 = arith.index_cast %scan3A_110 : i32 to index
      %get3A_199 = arith.constant 96 : index
      %get3A_200 = tpu.vector_load %arg13[%get3A_198, %get3A_199] {strides = array<i32>} : memref<128x128xf32, #tpu.memory_space<vmem>>, vector<1x16xf32>,
      %get3A_201 = vector.shape_cast %get3A_200 : vector<1x16xf32> to vector<16xf32>
      %mul3A_202 = arith.mulf %get3A_181, %get3A_189 : vector<16xf32>
      %mul3A_203 = arith.mulf %get3A_185, %get3A_193 : vector<16xf32>
      %add3A_204 = arith.addf %mul3A_202, %mul3A_203 : vector<16xf32>
      %mul3A_205 = arith.mulf %get3A_197, %add3A_204 : vector<16xf32>
      %add3A_206 = arith.addf %add3A_177, %mul3A_205 : vector<16xf32>
      %mul3A_207 = arith.mulf %get3A_181, %get3A_193 : vector<16xf32>
      %mul3A_208 = arith.mulf %get3A_185, %get3A_189 : vector<16xf32>
      %sub3A_209 = arith.subf %mul3A_207, %mul3A_208 : vector<16xf32>
      %mul3A_210 = arith.mulf %get3A_201, %sub3A_209 : vector<16xf32>
      %add3A_211 = arith.addf %add3A_206, %mul3A_210 : vector<16xf32>
      %get3A_212 = arith.index_cast %scan3A_110 : i32 to index
      %get3A_213 = arith.constant 48 : index
      %get3A_214 = tpu.vector_load %arg11[%get3A_212, %get3A_213] {strides = array<i32>} : memref<128x128xf32, #tpu.memory_space<vmem>>, vector<1x16xf32>,
      %get3A_215 = vector.shape_cast %get3A_214 : vector<1x16xf32> to vector<16xf32>
      %get3A_216 = arith.index_cast %scan3A_110 : i32 to index
      %get3A_217 = arith.constant 112 : index
      %get3A_218 = tpu.vector_load %arg11[%get3A_216, %get3A_217] {strides = array<i32>} : memref<128x128xf32, #tpu.memory_space<vmem>>, vector<1x16xf32>,
      %get3A_219 = vector.shape_cast %get3A_218 : vector<1x16xf32> to vector<16xf32>
      %get3A_220 = arith.index_cast %scan3A_110 : i32 to index
      %get3A_221 = arith.constant 48 : index
      %get3A_222 = tpu.vector_load %arg12[%get3A_220, %get3A_221] {strides = array<i32>} : memref<128x128xf32, #tpu.memory_space<vmem>>, vector<1x16xf32>,
      %get3A_223 = vector.shape_cast %get3A_222 : vector<1x16xf32> to vector<16xf32>
      %get3A_224 = arith.index_cast %scan3A_110 : i32 to index
      %get3A_225 = arith.constant 112 : index
      %get3A_226 = tpu.vector_load %arg12[%get3A_224, %get3A_225] {strides = array<i32>} : memref<128x128xf32, #tpu.memory_space<vmem>>, vector<1x16xf32>,
      %get3A_227 = vector.shape_cast %get3A_226 : vector<1x16xf32> to vector<16xf32>
      %get3A_228 = arith.index_cast %scan3A_110 : i32 to index
      %get3A_229 = arith.constant 48 : index
      %get3A_230 = tpu.vector_load %arg13[%get3A_228, %get3A_229] {strides = array<i32>} : memref<128x128xf32, #tpu.memory_space<vmem>>, vector<1x16xf32>,
      %get3A_231 = vector.shape_cast %get3A_230 : vector<1x16xf32> to vector<16xf32>
      %get3A_232 = arith.index_cast %scan3A_110 : i32 to index
      %get3A_233 = arith.constant 112 : index
      %get3A_234 = tpu.vector_load %arg13[%get3A_232, %get3A_233] {strides = array<i32>} : memref<128x128xf32, #tpu.memory_space<vmem>>, vector<1x16xf32>,
      %get3A_235 = vector.shape_cast %get3A_234 : vector<1x16xf32> to vector<16xf32>
      %mul3A_236 = arith.mulf %get3A_215, %get3A_223 : vector<16xf32>
      %mul3A_237 = arith.mulf %get3A_219, %get3A_227 : vector<16xf32>
      %add3A_238 = arith.addf %mul3A_236, %mul3A_237 : vector<16xf32>
      %mul3A_239 = arith.mulf %get3A_231, %add3A_238 : vector<16xf32>
      %add3A_240 = arith.addf %add3A_211, %mul3A_239 : vector<16xf32>
      %mul3A_241 = arith.mulf %get3A_215, %get3A_227 : vector<16xf32>
      %mul3A_242 = arith.mulf %get3A_219, %get3A_223 : vector<16xf32>
      %sub3A_243 = arith.subf %mul3A_241, %mul3A_242 : vector<16xf32>
      %mul3A_244 = arith.mulf %get3A_235, %sub3A_243 : vector<16xf32>
      %add3A_245 = arith.addf %add3A_240, %mul3A_244 : vector<16xf32>
      %swap3A = arith.index_cast %scan3A_110 : i32 to index
      %swap3A_246 = arith.constant 0 : index
      %swap3A_247 = tpu.vector_load %arg14[%swap3A, %swap3A_246] {strides = array<i32>} : memref<128x16xf32, #tpu.memory_space<vmem>>, vector<1x16xf32>,
      %swap3A_248 = vector.shape_cast %swap3A_247 : vector<1x16xf32> to vector<16xf32>
      %swap3A_249 = vector.shape_cast %add3A_245 : vector<16xf32> to vector<1x16xf32>
      tpu.vector_store %arg14[%swap3A, %swap3A_246], %swap3A_249 {strides = array<i32>} : memref<128x16xf32, #tpu.memory_space<vmem>>, vector<1x16xf32>,
    }
    %scan3A_109 = arith.constant 128 : i32
    "tpu.region"() ({
      %run_scoped3A = tpu.sem_alloc : memref<!tpu.dma_semaphore, #tpu.memory_space<semaphore_mem>>
      %dma_start3A_110 = arith.constant 0 : i32
      %dma_start3A_111 = tpu.memref_slice %arg7[%add3A_85, %dma_start3A_110] : memref<16384x16xf32, #tpu.memory_space<hbm>> -> memref<128x16xf32, #tpu.memory_space<hbm>>
      %dma_start3A_112 = arith.constant 0 : i32
      %dma_start3A_113 = tpu.memref_slice %arg7[%add3A_85, %dma_start3A_112] : memref<16384x16xf32, #tpu.memory_space<hbm>> -> memref<128x16xf32, #tpu.memory_space<hbm>>
      tpu.enqueue_dma source(%arg14 : memref<128x16xf32, #tpu.memory_space<vmem>>) target(%dma_start3A_113 : memref<128x16xf32, #tpu.memory_space<hbm>>) target_semaphore(%run_scoped3A : memref<!tpu.dma_semaphore, #tpu.memory_space<semaphore_mem>>)
      %dma_wait3A_114 = arith.constant 0 : i32
      %dma_wait3A_115 = tpu.memref_slice %arg7[%add3A_85, %dma_wait3A_114] : memref<16384x16xf32, #tpu.memory_space<hbm>> -> memref<128x16xf32, #tpu.memory_space<hbm>>
      %dma_wait3A_116 = arith.constant 0 : i32
      %dma_wait3A_117 = tpu.memref_slice %arg7[%add3A_85, %dma_wait3A_116] : memref<16384x16xf32, #tpu.memory_space<hbm>> -> memref<128x16xf32, #tpu.memory_space<hbm>>
      tpu.wait_dma2 semaphore(%run_scoped3A : memref<!tpu.dma_semaphore, #tpu.memory_space<semaphore_mem>>) src(%arg14 : memref<128x16xf32, #tpu.memory_space<vmem>>) dst(%dma_wait3A_117 : memref<128x16xf32, #tpu.memory_space<hbm>>)
      tpu.yield
    }) : () -> ()
    return
  }
}

module attributes {stable_mosaic.version = 14 : i64} {
  func.func @_loss_body(%arg0: memref<128x128x16xf32, #tpu.memory_space<vmem>>, %arg1: memref<128x128xf32, #tpu.memory_space<vmem>>, %arg2: memref<1x1xf32, #tpu.memory_space<smem>>) attributes {dimension_semantics = [], scalar_prefetch = 0 : i64, scratch_operands = 0 : i64, tpu.core_type = #tpu.core_type<tc>} {
    %get3A = arith.constant 0 : index
    %get3A_0 = arith.constant 0 : index
    %get3A_1 = arith.constant 0 : index
    %get3A_2 = vector.load %arg0[%get3A, %get3A_0, %get3A_1] : memref<128x128x16xf32, #tpu.memory_space<vmem>>, vector<128x128x16xf32>
    %reduce_sum3A = arith.constant dense<0.000000e+00> : vector<128x128xf32>
    %reduce_sum3A_3 = vector.multi_reduction <add>, %get3A_2, %reduce_sum3A [2] : vector<128x128x16xf32> to vector<128x128xf32>
    %get3A_4 = arith.constant 0 : index
    %get3A_5 = arith.constant 0 : index
    %get3A_6 = vector.load %arg1[%get3A_4, %get3A_5] : memref<128x128xf32, #tpu.memory_space<vmem>>, vector<128x128xf32>
    %neg3A = arith.constant 0.000000e+00 : f32
    %neg3A_7 = vector.broadcast %neg3A : f32 to vector<128x128xf32>
    %neg3A_8 = arith.subf %neg3A_7, %get3A_6 : vector<128x128xf32>
    %mul3A = arith.mulf %neg3A_8, %reduce_sum3A_3 : vector<128x128xf32>
    %custom_jvp_call3A = arith.constant 0.000000e+00 : f32
    %max3A = vector.broadcast %custom_jvp_call3A : f32 to vector<128x128xf32>
    %max3A_9 = arith.maximumf %mul3A, %max3A : vector<128x128xf32>
    %sub3A = vector.broadcast %custom_jvp_call3A : f32 to vector<128x128xf32>
    %sub3A_10 = arith.subf %mul3A, %sub3A : vector<128x128xf32>
    %ne3A = arith.cmpf one, %sub3A_10, %sub3A_10 : vector<128x128xf32>
    %add3A = vector.broadcast %custom_jvp_call3A : f32 to vector<128x128xf32>
    %add3A_11 = arith.addf %mul3A, %add3A : vector<128x128xf32>
    %abs3A = math.absf %sub3A_10 : vector<128x128xf32>
    %neg3A_12 = arith.constant 0.000000e+00 : f32
    %neg3A_13 = vector.broadcast %neg3A_12 : f32 to vector<128x128xf32>
    %neg3A_14 = arith.subf %neg3A_13, %abs3A : vector<128x128xf32>
    %exp3A = math.exp %neg3A_14 : vector<128x128xf32>
    %log1p3A = math.log1p %exp3A : vector<128x128xf32>
    %add3A_15 = arith.addf %max3A_9, %log1p3A : vector<128x128xf32>
    %select_n3A = arith.select %ne3A, %add3A_11, %add3A_15 : vector<128x128xi1>, vector<128x128xf32>
    %reduce_sum3A_16 = vector.shape_cast %select_n3A : vector<128x128xf32> to vector<1x128x128xf32>
    %reduce_sum3A_17 = arith.constant dense<0.000000e+00> : vector<1xf32>
    %reduce_sum3A_18 = vector.multi_reduction <add>, %reduce_sum3A_16, %reduce_sum3A_17 [1, 2] : vector<1x128x128xf32> to vector<1xf32>
    %reduce_sum3A_19 = vector.shape_cast %reduce_sum3A_18 : vector<1xf32> to vector<1x1x1xf32>
    %reduce_sum3A_20 = vector.extract %reduce_sum3A_19[0, 0, 0] : f32 from vector<1x1x1xf32>
    %div3A = arith.constant 1.638400e+04 : f32
    %div3A_21 = arith.divf %reduce_sum3A_20, %div3A : f32
    %swap3A = arith.constant 0 : index
    %swap3A_22 = arith.constant 0 : index
    %swap3A_23 = memref.load %arg2[%swap3A, %swap3A_22] : memref<1x1xf32, #tpu.memory_space<smem>>
    memref.store %div3A_21, %arg2[%swap3A, %swap3A_22] : memref<1x1xf32, #tpu.memory_space<smem>>
    return
  }
}

</mosaic_0001>

<sc_bundles>
// kernel: kernel.4.cloned.1.call-start
scs
__scs_entry_jumppad:
0x0: {  	(pc) =	sbr.rel $0x88, $3  }
0x1: {  	(tag) =	ssettag $0x0;
	lr =	simm.s32 $0x1  }
0x2: {  	[smem:$0x3F99] =	sst lr;
	_ =	strace $0xD0000000  }
0x3: {  	_ = 	snop  }
0x4: {  	_ = 	snop  }
0x5: {  	_ = 	snop  }
0x6: {  	_ = 	snop  }
0x7: {  	_ = 	snop  }
__scs_overlays_trampoline_lowered:
0x8: {  	[smem:$0x3FA8] =	sst s0  }
0x9: {  	[smem:$0x3FA9] =	sst s1  }
0xa: {  	[smem:$0x3FAA] =	sst s2  }
0xb: {  	[smem:$0x3FAB] =	sst s3  }
0xc: {  	[smem:$0x3FAC] =	sst s4  }
0xd: {  	[smem:$0x3FAD] =	sst s5  }
0xe: {  	[smem:$0x3FAE] =	sst s6  }
0xf: {  	[smem:$0x3FAF] =	sst s7  }
0x10: {  	[smem:$0x3FB0] =	sst s8  }
0x11: {  	[smem:$0x3FB1] =	sst s9;
	s0 =	simm.s32 @!p0 $0x0  }
0x12: {  	s1 =	sld [smem:$0x3F97];
	s0 =	simm.s32 @p0 $0x1  }
0x13: {  	[smem:$0x3FB2] =	sst s0;
	s0 =	simm.s32 @!p1 $0x0  }
0x14: {  	s2 =	sld [smem:$0x3F96];
	s0 =	simm.s32 @p1 $0x1  }
0x15: {  	[smem:$0x3FB3] =	sst s0;
	s0 =	simm.s32 @!p2 $0x0  }
0x16: {  	s3 =	sld [smem:$0x3FDB];
	s0 =	simm.s32 @p2 $0x1  }
0x17: {  	s4 =	simm.s32 $0x1BF5;
	[smem:$0x3FB5] =	sst s0  }
0x18: {  	s0 =	sld [smem:$0x3F98];
	_ =	swait.ge [sflag:s4], $0x0  }
0x19: {  	s7 =	sld [smem:$0x3F99]  }
0x1a: {  	s8 =	sadd.s32 $0xFFFFE003, lr  }
0x1b: {  	s9 =	sadd.s32 $0xFFFFFEF7, lr;
	s5 =	simm.s32 $0xFFFFFFFF;
	p2 =	slt.u32 s8, $0xFFFFF086  }
0x1c: {  	p1 =	slt.u32 s9, $0xF7A;
	s5 =	simm.s32 @!p2 $0x0  }
0x1d: {  	s5 =	simm.s32 @p1 $0x1;
	p0 =	seq.s32 s7, s2  }
0x1e: {  	s7 =	smul.u32 @!p0 $0xF7A, s2;
	p2 =	seq.s32 @!p0 s5, $0x0  }
0x1f: {  	s9 =	smul.u32 $0xF7A, s1;
	s8 =	simm.s32 @!p0 $0x1BF5;
	p2 =	por !p2, p0  }
0x20: {  	[sflag:s8] =	ssyncset.s32 @!p0 $0xFFFFF086;
	s6 =	sadd.s32 @!p0 s3, s7;
	s7 =	simm.s32 @!p0 $0x108  }
0x21: {  	s3 =	sadd.s32 s3, s9;
	s6 =	sadd.s32 @!p0 $0x88, s6;
	s7 =	simm.s32 @p2 $0x1082  }
0x22: {  	[simem:s7], [sflag:s8] =	dma.local @!p0 [hbm:s6], $0xF7A  }
0x23: {  	s9 =	sor.u32 $0xD0000000, s2;
	s6 =	simm.s32 $0x108;
	_ =	swait.ge @!p0 [sflag:s8], $0x0  }
0x24: {  	s3 =	sadd.s32 $0x88, s3;
	s6 =	simm.s32 @!p1 $0x1082;
	[sflag:s4] =	ssyncset.s32 $0xFFFFF086  }
0x25: {  	[simem:s6], [sflag:s4] =	dma.local [hbm:s3], $0xF7A  }
0x26: {  	[smem:$0x3F99] =	sst s1;
	(tag) =	ssettag s2;
	_ =	strace s9  }
0x27: {  	s1 =	sld [smem:$0x3FA9]  }
0x28: {  	s2 =	sld [smem:$0x3FAA]  }
0x29: {  	s4 =	sld [smem:$0x3FAC]  }
0x2a: {  	p0 =	seq.s32 s5, $0x0;
	s5 =	sld [smem:$0x3FAD]  }
0x2b: {  	s6 =	sld [smem:$0x3FAE]  }
0x2c: {  	s7 =	sld [smem:$0x3FAF]  }
0x2d: {  	s3 =	simm.s32 $0x108;
	s8 =	sld [smem:$0x3FB0]  }
0x2e: {  	s3 =	simm.s32 @!p0 $0x1082;
	s9 =	sld [smem:$0x3FB1]  }
0x2f: {  	lr =	sadd.s32 s0, s3;
	s0 =	sld [smem:$0x3FA8]  }
0x30: {  	s3 =	sld [smem:$0x3FAB]  }
0x31: {  	[smem:$0x3FB4] =	sst s10  }
0x32: {  	s10 =	sld [smem:$0x3FB2];
	_ =	sdelay $0x3  }
0x33: {  	p0 =	seq.s32 s10, $0x1;
	s10 =	sld [smem:$0x3FB4];
	_ =	sdelay $0x3  }
0x34: {  	[smem:$0x3FB4] =	sst s10  }
0x35: {  	s10 =	sld [smem:$0x3FB3];
	_ =	sdelay $0x3  }
0x36: {  	p1 =	seq.s32 s10, $0x1;
	s10 =	sld [smem:$0x3FB4];
	_ =	sdelay $0x3  }
0x37: {  	[smem:$0x3FB4] =	sst s10  }
0x38: {  	s10 =	sld [smem:$0x3FB5]  }
0x39: {  	_ = 	snop;
	(pc) =	sbr.ind lr, $3  }
0x3a: {  	_ = 	snop  }
0x3b: {  	_ = 	snop  }
0x3c: {  	p2 =	seq.s32 s10, $0x1;
	s10 =	sld [smem:$0x3FB4]  }
0x3d: {  	_ =	shalt  }
0x3e: {  	_ =	shalt  }
0x3f: {  	_ =	shalt  }
0x40: {  	_ =	shalt  }
0x41: {  	_ =	shalt  }
0x42: {  	_ =	shalt  }
0x43: {  	_ =	shalt  }
0x44: {  	_ =	shalt  }
0x45: {  	_ =	shalt  }
0x46: {  	_ =	shalt  }
0x47: {  	_ =	shalt  }
0x48: {  	_ =	shalt  }
0x49: {  	_ =	shalt  }
0x4a: {  	_ =	shalt  }
0x4b: {  	_ =	shalt  }
0x4c: {  	_ =	shalt  }
0x4d: {  	_ =	shalt  }
0x4e: {  	_ =	shalt  }
0x4f: {  	_ =	shalt  }
0x50: {  	_ =	shalt  }
0x51: {  	_ =	shalt  }
0x52: {  	_ =	shalt  }
0x53: {  	_ =	shalt  }
0x54: {  	_ =	shalt  }
0x55: {  	_ =	shalt  }
0x56: {  	_ =	shalt  }
0x57: {  	_ =	shalt  }
0x58: {  	_ =	shalt  }
0x59: {  	_ =	shalt  }
0x5a: {  	_ =	shalt  }
0x5b: {  	_ =	shalt  }
0x5c: {  	_ =	shalt  }
0x5d: {  	_ =	shalt  }
0x5e: {  	_ =	shalt  }
0x5f: {  	_ =	shalt  }
0x60: {  	_ =	shalt  }
0x61: {  	_ =	shalt  }
0x62: {  	_ =	shalt  }
0x63: {  	_ =	shalt  }
0x64: {  	_ =	shalt  }
0x65: {  	_ =	shalt  }
0x66: {  	_ =	shalt  }
0x67: {  	_ =	shalt  }
0x68: {  	_ =	shalt  }
0x69: {  	_ =	shalt  }
0x6a: {  	_ =	shalt  }
0x6b: {  	_ =	shalt  }
0x6c: {  	_ =	shalt  }
0x6d: {  	_ =	shalt  }
0x6e: {  	_ =	shalt  }
0x6f: {  	_ =	shalt  }
0x70: {  	_ =	shalt  }
0x71: {  	_ =	shalt  }
0x72: {  	_ =	shalt  }
0x73: {  	_ =	shalt  }
0x74: {  	_ =	shalt  }
0x75: {  	_ =	shalt  }
0x76: {  	_ =	shalt  }
0x77: {  	_ =	shalt  }
0x78: {  	_ =	shalt  }
0x79: {  	_ =	shalt  }
0x7a: {  	_ =	shalt  }
0x7b: {  	_ =	shalt  }
0x7c: {  	_ =	shalt  }
0x7d: {  	_ =	shalt  }
0x7e: {  	_ =	shalt  }
0x7f: {  	_ =	shalt  }
0x80: {  	_ =	shalt  }
0x81: {  	_ =	shalt  }
0x82: {  	_ =	shalt  }
0x83: {  	_ =	shalt  }
0x84: {  	_ =	shalt  }
0x85: {  	_ =	shalt  }
0x86: {  	_ =	shalt  }
0x87: {  	_ =	shalt  }
.Lfunc_end0:
.L_simem_size_0:
called_computation_lowered:
.L_overlay_start_0:
0x88: {  	s2 =	sld [smem:$0x3FD9]  }
0x89: {  	s3 =	sld [smem:$0x3FFE];
	_ =	sdelay $0x1  }
0x8a: {  	s1 =	srdreg.scid  }
0x8b: {  	s0 =	sand.u32 $0x1, s1  }
0x8c: {  	s17 =	sshll.u32 s0, $0xA;
	s2 =	sadd.s32 s3, s2  }
0x8d: {  	s2 =	sadd.s32 s2, s17  }
0x8e: {  	[smem:$0x3FC0] =	sst s2  }
0x8f: {  	_ = 	snop  }
0x90: {  	s2 =	sld [smem:$0x3FC9]  }
0x91: {  	s18 =	sld [smem:$0x3FC8]  }
0x92: {  	s4 =	sld [smem:$0x3FC7];
	(tm) =	ssettm $0x1  }
0x93: {  	s5 =	sld [smem:$0x3FFB];
	_ =	sdelay $0x3  }
0x94: {  	_ =	strace s5  }
0x95: {  	s5 =	sld [smem:$0x3FFC];
	_ =	sdelay $0x3  }
0x96: {  	_ =	strace s5  }
0x97: {  	s5 =	sld [smem:$0x3FFD];
	_ =	sdelay $0x3  }
0x98: {  	_ =	strace s5  }
0x99: {  	_ =	strace $0x8FFFFFFF  }
0x9a: {  	s19 =	sld [smem:$0x3FDB];
	_ =	sdelay $0x1  }
0x9b: {  	s6 =	simm.s32 $_scs_section_size  }
0x9c: {  	s7 =	simm.s32 $_size__tile_overlayer_lowered;
	s8 =	simm.s32 $_tile_overlayer_lowered  }
0x9d: {  	s22 =	simm.s32 $0x1BFF;
	s21 =	sshll.u32 s8, $0x1;
	s5 =	sadd.s32 s6, s19  }
0x9e: {  	s9 =	simm.s32 $0x0;
	s20 =	sshll.u32 s7, $0x1;
	s7 =	sadd.s32 s21, s5  }
0x9f: {  	[timem:s9], [sflag:s22] =	dma.local [hbm:s7], s20  }
0xa0: {  	_ =	swait.ge [sflag:s22], s20  }
0xa1: {  	s6 =	ssub.s32 $0x0, s20;
	[sflag:s22] =	ssyncset.done $0x0  }
0xa2: {  	[sflag:s22] =	ssyncadd.s32 s6;
	_ =	sdelay $0x1  }
0xa3: {  	s23 =	simm.s32 $0x1B8B  }
0xa4: {  	_ =	swait.ge [sflag:s23], $0x1  }
0xa5: {  	[sflag:s23] =	ssyncset.done $0x0  }
0xa6: {  	s25 =	simm.s32 $0x1B8E;
	s24 =	sld [smem:$0x3FFE];
	[sflag:s23] =	ssyncadd.s32 $0xFFFFFFFF  }
0xa7: {  	s26 =	simm.s32 $execute0_lowered;
	[smem:$0x3FD2] =	sst s25  }
0xa8: {  	s7 =	sshll.u32 s26, $0x1;
	_ =	strace $0x80000046;
	[dreg:$0x1] =	wrdreg $0xFFFFFFFF  }
0xa9: {  	s28 =	simm.s32 $_size_execute0_lowered;
	s5 =	sadd.s32 s5, s7;
	[dreg:$0x0] =	wrdreg $0x0  }
0xaa: {  	s7 =	sshll.u32 s28, $0x1;
	[dreg:$0x2] =	wrdreg s5  }
0xab: {  	[dreg:$0x3] =	wrdreg s7  }
0xac: {  	[dreg:$0x4] =	wrdreg $0xC0  }
0xad: {  	_ =	task [dreg:s9], $0x5FFFF  }
0xae: {  	[dreg:$0x1] =	wrdreg $0xFFFFFFFF  }
0xaf: {  	[dreg:$0x0] =	wrdreg $0x60  }
0xb0: {  	[dreg:$0x2] =	wrdreg s2  }
0xb1: {  	[dreg:$0x3] =	wrdreg s18  }
0xb2: {  	[dreg:$0x4] =	wrdreg s4  }
0xb3: {  	[dreg:$0x5] =	wrdreg s24  }
0xb4: {  	[dreg:$0x6] =	wrdreg $0x9  }
0xb5: {  	_ =	task.clear_ibuf [dreg:s9], $0x7FFFF;
	_ =	strace $0x90000046  }
0xb6: {  	s29 =	simm.s32 $0x9;
	_ =	strace $0x80000048  }
0xb7: {  	_ =	swait.ge [sflag:s29], $0x1  }
0xb8: {  	[sflag:s29] =	ssyncadd.s32 $0xFFFFFFFF  }
0xb9: {  	_ =	strace $0x90000048  }
0xba: {  	_ =	sfence  }
0xbb: {  	s30 =	sld [smem:$0x0];
	_ =	sdelay $0x2  }
0xbc: {  	s31 =	sshll.u32 s1, $0xD;
	s1 =	sshrl.u32 s1, $0x2  }
0xbd: {  	s3 =	sand.u32 $0x4000, s31;
	s1 =	sadd.s32 s1, s30  }
0xbe: {  	s0 =	sor.u32 s3, s0;
	s1 =	sshll.u32 s1, $0x11  }
0xbf: {  	s0 =	sor.u32 s1, s0  }
0xc0: {  	s0 =	sadd.s32 $0x8F2B, s0  }
0xc1: {  	[sflag:s0] =	ssyncadd.remote.s32 $0x1  }
0xc2: {  	_ =	sfence.sel $0xFFFF  }
0xc3: {  	[dreg:$0x0] =	wrdreg $0xFFFFFFFF;
	(pc) =	sbr.abs _section_cstart, $3  }
0xc4: {  	[dreg:$0x1] =	wrdreg $0xFFFFFFFF  }
0xc5: {  	_ =	task.clear_ibuf [dreg:s9], $0x2FFFF;
	_ =	strace $0x9FFFFFFF  }
0xc6: {  	(tm) =	ssettm $0x7FFFFFFF  }
0xc7: {  	_ =	shalt  }
tec
execute0_lowered:
.L_overlay_start_1:
0x0: {  	(tag) =	ssettag $0x1  }
0x1: {  	s0 =	rddreg [dreg:$0x0]  }
0x2: {  	s2 =	rddreg [dreg:$0x1]  }
0x3: {  	s5 =	rddreg [dreg:$0x2]  }
0x4: {  	s6 =	rddreg [dreg:$0x3];
	s1 =	simm.s32 $0x0;
	s4 =	srdreg.scid  }
0x5: {  	s8 =	stileid.u32;
	s23 =	simm.s32 $0x80;
	s28 =	simm.s32 $0x8180  }
0x6: {  	s29 =	simm.s32 $0x1;
	s30 =	simm.s32 $0xC180;
	s31 =	simm.s32 $0x0  }
0x7: {  	[smem:$0x7FF] =	sst s1;
	s3 =	sadd.s32 $0x1E8D800, s6;
	s4 =	sand.u32 $0x1, s4  }
0x8: {  	s8 =	sshll.u32 s8, $0xA;
	s20 =	sadd.s32 $0x5000, s6;
	s7 =	ssub.s32 $0x2, s4  }
0x9: {  	_ =	strace $0x80000047;
	s9 =	sshll.u32 s4, $0x9;
	s10 =	sshrl.u32 s7, $0x1  }
0xa: {  	s4 =	sadd.s32 $0x1000, s6;
	s15 =	sor.u32 s9, s8;
	s21 =	ssub.s32 s7, s10  }
0xb: {  	s24 =	sshrl.u32 s15, $0x3;
	s11 =	sor.u32 $0x80, s15;
	s8 =	sshll.u32 s15, $0x4  }
0xc: {  	s16 =	sor.u32 $0x100, s15;
	s19 =	sor.u32 $0x180, s15;
	s25 =	sadd.s32 s0, s24  }
0xd: {  	s6 =	sadd.s32 s2, s24;
	s7 =	sadd.s32 s5, s24;
	s12 =	sshrl.u32 s11, $0x3  }
0xe: {  	s8 =	sadd.s32 s20, s8;
	s13 =	sshll.u32 s11, $0x4;
	s17 =	sshrl.u32 s16, $0x3  }
0xf: {  	s16 =	sshll.u32 s16, $0x4;
	s22 =	sshrl.u32 s19, $0x3;
	s26 =	sshll.u32 s19, $0x4  }
0x10: {  	s21 =	smax.u32 s21, $0x1;
	s24 =	simm.s32 $0x100;
	[dreg:$0x5] =	wrdreg s25  }
0x11: {  	s9 =	sadd.s32 s0, s12;
	s10 =	sadd.s32 s2, s12;
	s11 =	sadd.s32 s5, s12  }
0x12: {  	s12 =	sadd.s32 s20, s13;
	s13 =	sadd.s32 s0, s17;
	s14 =	sadd.s32 s2, s17  }
0x13: {  	s15 =	sadd.s32 s5, s17;
	s16 =	sadd.s32 s20, s16;
	s17 =	sadd.s32 s0, s22  }
0x14: {  	s18 =	sadd.s32 s2, s22;
	s19 =	sadd.s32 s5, s22;
	s20 =	sadd.s32 s20, s26  }
0x15: {  	s22 =	simm.s32 $0x2;
	s25 =	simm.s32 $0x180;
	s26 =	simm.s32 $0x4180  }
.LBB2_1:
0x16: {  	s0 =	rddreg [dreg:$0x5]  }
0x17: {  	[tilespmem:s1], [sflag:$0x2] =	stream.linear.gather [hbm4b:s0+s1], $0x80, $0x38;
	[tilespmem:$0x10180] =	vst v63  }
0x18: {  	_ =	swait.ge [sflag:s22], $0x80  }
0x19: {  	[sflag:s22] =	ssyncset.done $0x0  }
0x1a: {  	[sflag:s22] =	ssyncadd.s32 $0xFFFFFF80  }
0x1b: {  	[tilespmem:s23], [sflag:$0x2] =	stream.linear.gather [hbm4b:s6+s1], $0x80, $0x38;
	[tilespmem:$0x10180] =	vst v63  }
0x1c: {  	_ =	swait.ge [sflag:s22], $0x80  }
0x1d: {  	[sflag:s22] =	ssyncset.done $0x0  }
0x1e: {  	[sflag:s22] =	ssyncadd.s32 $0xFFFFFF80  }
0x1f: {  	[tilespmem:s24], [sflag:$0x2] =	stream.linear.gather [hbm4b:s7+s1], $0x80, $0x38;
	[tilespmem:$0x10180] =	vst v63  }
0x20: {  	_ =	swait.ge [sflag:s22], $0x80  }
0x21: {  	[sflag:s22] =	ssyncset.done $0x0  }
0x22: {  	[sflag:s22] =	ssyncadd.s32 $0xFFFFFF80  }
0x23: {  	[tilespmem:s25], [sflag:$0x1] =	stream.indirect.gather [hbm4b:s3+s23], $0x80, s1, s23, $0xb8;
	[tilespmem:$0x10180] =	vst v63  }
0x24: {  	_ = 	snop  }
0x25: {  	[tilespmem:s26], [sflag:$0x1] =	stream.indirect.gather [hbm4b:s3+s23], $0x80, s23, s23, $0xb8;
	[tilespmem:$0x10180] =	vst v63  }
0x26: {  	_ = 	snop  }
0x27: {  	[tilespmem:s28], [sflag:$0x1] =	stream.indirect.gather [hbm4b:s4+s23], $0x80, s24, s23, $0xb8;
	[tilespmem:$0x10180] =	vst v63  }
0x28: {  	_ =	swait.ge [sflag:s29], $0x4000  }
0x29: {  	[sflag:s29] =	ssyncset.done $0x0  }
0x2a: {  	[sflag:s29] =	ssyncadd.s32 $0xFFFFC000  }
0x2b: {  	_ =	swait.ge [sflag:s29], $0x4000  }
0x2c: {  	[sflag:s29] =	ssyncset.done $0x0  }
0x2d: {  	[sflag:s29] =	ssyncadd.s32 $0xFFFFC000  }
0x2e: {  	_ =	swait.ge [sflag:s29], $0x4000  }
0x2f: {  	[sflag:s29] =	ssyncset.done $0x0  }
0x30: {  	s0 =	simm.s32 $0x0;
	[sflag:s29] =	ssyncadd.s32 $0xFFFFC000  }
0x31: {  	v3 =	vld [tilespmem:s0+$0x1B0]  }
0x32: {  	v4 =	vld [tilespmem:s0+$0x1F0]  }
0x33: {  	v0 =	vld [tilespmem:s0+$0x1A0]  }
0x34: {  	v1 =	vld [tilespmem:s0+$0x1E0]  }
0x35: {  	v2 =	vld [tilespmem:s0+$0x8180]  }
0x36: {  	v5 =	vld [tilespmem:s0+$0x180]  }
0x37: {  	v6 =	vld [tilespmem:s0+$0x1C0]  }
0x38: {  	v7 =	vld [tilespmem:s0+$0x4180]  }
0x39: {  	v8 =	vld [tilespmem:s0+$0x41C0]  }
0x3a: {  	v9 =	vld [tilespmem:s0+$0x190]  }
0x3b: {  	v10 =	vld [tilespmem:s0+$0x1D0]  }
0x3c: {  	v11 =	vld [tilespmem:s0+$0x4190]  }
0x3d: {  	v12 =	vld [tilespmem:s0+$0x41D0]  }
0x3e: {  	v15 =	vld [tilespmem:s0+$0x41A0];
	v13 =	vmul.f32 v7, v5;
	v14 =	vmul.f32 v8, v6  }
0x3f: {  	v16 =	vld [tilespmem:s0+$0x81C0]  }
0x40: {  	v5 =	vmul.f32 v8, v5;
	v6 =	vmul.f32 v7, v6;
	v7 =	vld [tilespmem:s0+$0x41E0];
	v13 =	vadd.f32 v14, v13  }
0x41: {  	v8 =	vld [tilespmem:s0+$0x8190];
	v55 =	vmul.f32 v11, v9  }
0x42: {  	v56 =	vld [tilespmem:s0+$0x41B0];
	v5 =	vsub.f32 v5, v6;
	v6 =	vmul.f32 v12, v10;
	v2 =	vmul.f32 v13, v2  }
0x43: {  	v17 =	vld [tilespmem:s0+$0x81D0];
	v9 =	vmul.f32 v12, v9;
	v10 =	vmul.f32 v11, v10  }
0x44: {  	v11 =	vld [tilespmem:s0+$0x41F0];
	v5 =	vmul.f32 v5, v16;
	v6 =	vadd.f32 v6, v55;
	v2 =	vadd.f32 $0.0e+00, v2  }
0x45: {  	v57 =	vld [tilespmem:s0+$0x81A0];
	v58 =	vmul.f32 v15, v0;
	v59 =	vmul.f32 v7, v1  }
0x46: {  	v60 =	vld [tilespmem:s0+$0x81B0];
	v2 =	vadd.f32 v2, v5;
	v5 =	vmul.f32 v6, v8;
	v6 =	vsub.f32 v9, v10  }
0x47: {  	s2 =	simm.s32 $0x80;
	v7 =	vmul.f32 v7, v0;
	v8 =	vld [tilespmem:s0+$0x81E0];
	v10 =	vmul.f32 v15, v1  }
0x48: {  	v0 =	vld [tilespmem:s2+$0x1B0];
	v2 =	vadd.f32 v5, v2;
	v5 =	vmul.f32 v6, v17;
	v6 =	vadd.f32 v59, v58  }
0x49: {  	v61 =	vmul.f32 v56, v3;
	v62 =	vmul.f32 v11, v4;
	v9 =	vld [tilespmem:s0+$0x81F0]  }
0x4a: {  	v1 =	vld [tilespmem:s2+$0x1F0];
	v7 =	vsub.f32 v7, v10;
	v5 =	vadd.f32 v2, v5;
	v6 =	vmul.f32 v6, v57  }
0x4b: {  	v10 =	vmul.f32 v11, v3;
	v11 =	vmul.f32 v56, v4;
	v3 =	vld [tilespmem:s2+$0x1E0]  }
0x4c: {  	v4 =	vld [tilespmem:s2+$0x8180];
	v7 =	vmul.f32 v7, v8;
	v8 =	vadd.f32 v62, v61;
	v6 =	vadd.f32 v6, v5  }
0x4d: {  	v2 =	vld [tilespmem:s2+$0x1A0]  }
0x4e: {  	v10 =	vsub.f32 v10, v11;
	v5 =	vld [tilespmem:s2+$0x180];
	v8 =	vmul.f32 v8, v60;
	v63 =	vadd.f32 v6, v7  }
0x4f: {  	v6 =	vld [tilespmem:s2+$0x1C0]  }
0x50: {  	s5 =	simm.s32 $0x400;
	v9 =	vmul.f32 v10, v9;
	v7 =	vld [tilespmem:s2+$0x4180];
	v8 =	vadd.f32 v8, v63  }
.LBB2_2:
0x51: {  	p0 =	sne.s32 s5, $0xFE00;
	v10 =	vld [tilespmem:s2+$0x41C0]  }
0x52: {  	v11 =	vld [tilespmem:s2+$0x190];
	v8 =	vadd.f32 v8, v9  }
0x53: {  	v9 =	vld [tilespmem:s2+$0x1D0]  }
0x54: {  	v12 =	vld [tilespmem:s2+$0x4190];
	[tilespmem:s0+$0xC180] =	vst v8;
	s0 =	smov.u32 s2  }
0x55: {  	v8 =	vld [tilespmem:s0+$0x41D0]  }
0x56: {  	v13 =	vmul.f32 v7, v5;
	v14 =	vmul.f32 v10, v6;
	v15 =	vld [tilespmem:s0+$0x41A0]  }
0x57: {  	v16 =	vld [tilespmem:s0+$0x81C0]  }
0x58: {  	v5 =	vmul.f32 v10, v5;
	v6 =	vmul.f32 v7, v6;
	v13 =	vadd.f32 v14, v13;
	v7 =	vld [tilespmem:s0+$0x41E0]  }
0x59: {  	v10 =	vld [tilespmem:s0+$0x8190];
	v14 =	vmul.f32 v12, v11  }
0x5a: {  	v5 =	vsub.f32 v5, v6;
	v4 =	vmul.f32 v13, v4;
	v6 =	vmul.f32 v8, v9;
	v13 =	vld [tilespmem:s0+$0x41B0]  }
0x5b: {  	v8 =	vmul.f32 v8, v11;
	v9 =	vmul.f32 v12, v9;
	v17 =	vld [tilespmem:s0+$0x81D0]  }
0x5c: {  	v4 =	vadd.f32 $0.0e+00, v4;
	v5 =	vmul.f32 v5, v16;
	v6 =	vadd.f32 v6, v14;
	v11 =	vld [tilespmem:s0+$0x41F0]  }
0x5d: {  	v14 =	vmul.f32 v15, v2;
	v12 =	vld [tilespmem:s0+$0x81A0];
	v16 =	vmul.f32 v7, v3  }
0x5e: {  	v4 =	vadd.f32 v4, v5;
	v5 =	vmul.f32 v6, v10;
	v6 =	vsub.f32 v8, v9;
	v9 =	vld [tilespmem:s0+$0x81F0]  }
0x5f: {  	v2 =	vmul.f32 v7, v2;
	v3 =	vmul.f32 v15, v3;
	v8 =	vld [tilespmem:s0+$0x81E0]  }
0x60: {  	s2 =	sshra.s32 s5, $0x2;
	v4 =	vadd.f32 v5, v4;
	v5 =	vmul.f32 v6, v17;
	v6 =	vadd.f32 v16, v14;
	v7 =	vld [tilespmem:s0+$0x81B0]  }
0x61: {  	v14 =	vmul.f32 v13, v0;
	v10 =	vld [tilespmem:s2+$0x1B0];
	v15 =	vmul.f32 v11, v1  }
0x62: {  	v16 =	vld [tilespmem:s2+$0x1F0];
	v4 =	vadd.f32 v4, v5;
	v5 =	vmul.f32 v6, v12;
	v6 =	vsub.f32 v2, v3  }
0x63: {  	v17 =	vmul.f32 v11, v0;
	v1 =	vmul.f32 v13, v1;
	v2 =	vld [tilespmem:s2+$0x1A0]  }
.Ltmp0:
0x64: {  	v3 =	vld [tilespmem:s2+$0x1E0];
	v11 =	vadd.f32 v5, v4;
	v6 =	vmul.f32 v6, v8;
	v8 =	vadd.f32 v15, v14;
	(pc) =	sbr.rel @p0 .LBB2_2-.Ltmp0, $4  }
0x65: {  	v4 =	vld [tilespmem:s2+$0x8180]  }
0x66: {  	v12 =	vsub.f32 v17, v1;
	v5 =	vld [tilespmem:s2+$0x180];
	v11 =	vadd.f32 v11, v6;
	v8 =	vmul.f32 v8, v7;
	v0 =	vmovc v10  }
0x67: {  	v6 =	vld [tilespmem:s2+$0x1C0];
	v1 =	vmov v16  }
0x68: {  	s5 =	sadd.s32 $0x200, s5;
	v9 =	vmul.f32 v12, v9;
	v7 =	vld [tilespmem:s2+$0x4180];
	v8 =	vadd.f32 v8, v11  }
0x69: {  	v10 =	vld [tilespmem:s2+$0x41C0]  }
0x6a: {  	v11 =	vld [tilespmem:s2+$0x190];
	v8 =	vadd.f32 v8, v9  }
0x6b: {  	v12 =	vld [tilespmem:s2+$0x4190]  }
0x6c: {  	v9 =	vld [tilespmem:s2+$0x1D0];
	[tilespmem:s0+$0xC180] =	vst v8  }
0x6d: {  	v8 =	vld [tilespmem:s2+$0x41D0]  }
0x6e: {  	v13 =	vmul.f32 v7, v5;
	v15 =	vld [tilespmem:s2+$0x41A0];
	v14 =	vmul.f32 v10, v6  }
0x6f: {  	v16 =	vld [tilespmem:s2+$0x81C0]  }
0x70: {  	v5 =	vmul.f32 v10, v5;
	v6 =	vmul.f32 v7, v6;
	v7 =	vld [tilespmem:s2+$0x41E0];
	v13 =	vadd.f32 v14, v13  }
0x71: {  	v10 =	vld [tilespmem:s2+$0x8190];
	v44 =	vmul.f32 v12, v11  }
0x72: {  	v45 =	vld [tilespmem:s2+$0x41B0];
	v5 =	vsub.f32 v5, v6;
	v4 =	vmul.f32 v13, v4;
	v6 =	vmul.f32 v8, v9  }
0x73: {  	v17 =	vld [tilespmem:s2+$0x81D0];
	v8 =	vmul.f32 v8, v11;
	v9 =	vmul.f32 v12, v9  }
0x74: {  	v46 =	vld [tilespmem:s2+$0x81A0];
	v5 =	vmul.f32 v5, v16;
	v4 =	vadd.f32 $0.0e+00, v4;
	v6 =	vadd.f32 v6, v44  }
0x75: {  	v11 =	vld [tilespmem:s2+$0x41F0];
	v47 =	vmul.f32 v15, v2;
	v48 =	vmul.f32 v7, v3  }
0x76: {  	v4 =	vadd.f32 v4, v5;
	v5 =	vmul.f32 v6, v10;
	v6 =	vsub.f32 v8, v9  }
0x77: {  	v2 =	vmul.f32 v7, v2;
	v3 =	vmul.f32 v15, v3;
	v8 =	vld [tilespmem:s2+$0x81E0]  }
0x78: {  	v4 =	vadd.f32 v5, v4;
	v5 =	vmul.f32 v6, v17;
	v6 =	vadd.f32 v48, v47  }
0x79: {  	v7 =	vld [tilespmem:s2+$0x81B0];
	v2 =	vsub.f32 v2, v3;
	v9 =	vmul.f32 v45, v0  }
0x7a: {  	v10 =	vmul.f32 v11, v1;
	v4 =	vadd.f32 v4, v5;
	v5 =	vmul.f32 v6, v46  }
0x7b: {  	v3 =	vld [tilespmem:s2+$0x81F0];
	v0 =	vmul.f32 v11, v0;
	v1 =	vmul.f32 v45, v1  }
0x7c: {  	v2 =	vmul.f32 v2, v8;
	v4 =	vadd.f32 v5, v4;
	v5 =	vadd.f32 v10, v9;
	_ =	sdelay $0x1  }
0x7d: {  	v0 =	vsub.f32 v0, v1;
	v2 =	vadd.f32 v4, v2;
	v4 =	vmul.f32 v5, v7;
	_ =	sdelay $0x1  }
0x7e: {  	v0 =	vmul.f32 v0, v3;
	v1 =	vadd.f32 v4, v2;
	_ =	sdelay $0x1  }
0x7f: {  	v0 =	vadd.f32 v1, v0;
	_ =	sdelay $0x1  }
0x80: {  	s5 =	simm.s32 $0x0;
	[tilespmem:s2+$0xC180] =	vst v0  }
0x81: {  	[hbm4b:s8+s5] =	stream.linear.scatter [tilespmem:s30], [sflag:$0x2], $0x4000, $0x38;
	[tilespmem:$0x10180] =	vst v63  }
0x82: {  	_ =	swait.ge [sflag:s22], $0x4000  }
0x83: {  	[sflag:s22] =	ssyncset.done $0x0  }
0x84: {  	[sflag:s22] =	ssyncadd.s32 $0xFFFFC000  }
0x85: {  	[tilespmem:s5], [sflag:$0x2] =	stream.linear.gather [hbm4b:s9+s5], $0x80, $0x38;
	[tilespmem:$0x10180] =	vst v63  }
0x86: {  	_ =	swait.ge [sflag:s22], $0x80  }
0x87: {  	[sflag:s22] =	ssyncset.done $0x0  }
0x88: {  	[sflag:s22] =	ssyncadd.s32 $0xFFFFFF80  }
0x89: {  	[tilespmem:s23], [sflag:$0x2] =	stream.linear.gather [hbm4b:s10+s5], $0x80, $0x38;
	[tilespmem:$0x10180] =	vst v63  }
0x8a: {  	_ =	swait.ge [sflag:s22], $0x80  }
0x8b: {  	[sflag:s22] =	ssyncset.done $0x0  }
0x8c: {  	[sflag:s22] =	ssyncadd.s32 $0xFFFFFF80  }
0x8d: {  	[tilespmem:s24], [sflag:$0x2] =	stream.linear.gather [hbm4b:s11+s5], $0x80, $0x38;
	[tilespmem:$0x10180] =	vst v63  }
0x8e: {  	_ =	swait.ge [sflag:s22], $0x80  }
0x8f: {  	[sflag:s22] =	ssyncset.done $0x0  }
0x90: {  	[sflag:s22] =	ssyncadd.s32 $0xFFFFFF80  }
0x91: {  	[tilespmem:s25], [sflag:$0x1] =	stream.indirect.gather [hbm4b:s3+s23], $0x80, s5, s23, $0xb8;
	[tilespmem:$0x10180] =	vst v63  }
0x92: {  	_ = 	snop  }
0x93: {  	[tilespmem:s26], [sflag:$0x1] =	stream.indirect.gather [hbm4b:s3+s23], $0x80, s23, s23, $0xb8;
	[tilespmem:$0x10180] =	vst v63  }
0x94: {  	_ = 	snop  }
0x95: {  	[tilespmem:s28], [sflag:$0x1] =	stream.indirect.gather [hbm4b:s4+s23], $0x80, s24, s23, $0xb8;
	[tilespmem:$0x10180] =	vst v63  }
0x96: {  	_ =	swait.ge [sflag:s29], $0x4000  }
0x97: {  	[sflag:s29] =	ssyncset.done $0x0  }
0x98: {  	[sflag:s29] =	ssyncadd.s32 $0xFFFFC000  }
0x99: {  	_ =	swait.ge [sflag:s29], $0x4000  }
0x9a: {  	[sflag:s29] =	ssyncset.done $0x0  }
0x9b: {  	[sflag:s29] =	ssyncadd.s32 $0xFFFFC000  }
0x9c: {  	_ =	swait.ge [sflag:s29], $0x4000  }
0x9d: {  	[sflag:s29] =	ssyncset.done $0x0  }
0x9e: {  	s0 =	simm.s32 $0x0;
	[sflag:s29] =	ssyncadd.s32 $0xFFFFC000  }
0x9f: {  	v3 =	vld [tilespmem:s0+$0x1B0]  }
0xa0: {  	v4 =	vld [tilespmem:s0+$0x1F0]  }
0xa1: {  	v0 =	vld [tilespmem:s0+$0x1A0]  }
0xa2: {  	v1 =	vld [tilespmem:s0+$0x1E0]  }
0xa3: {  	v2 =	vld [tilespmem:s0+$0x8180]  }
0xa4: {  	v5 =	vld [tilespmem:s0+$0x180]  }
0xa5: {  	v6 =	vld [tilespmem:s0+$0x1C0]  }
0xa6: {  	v7 =	vld [tilespmem:s0+$0x4180]  }
0xa7: {  	v8 =	vld [tilespmem:s0+$0x41C0]  }
0xa8: {  	v9 =	vld [tilespmem:s0+$0x190]  }
0xa9: {  	v10 =	vld [tilespmem:s0+$0x1D0]  }
0xaa: {  	v11 =	vld [tilespmem:s0+$0x4190]  }
0xab: {  	v49 =	vld [tilespmem:s0+$0x41D0]  }
0xac: {  	v52 =	vld [tilespmem:s0+$0x41A0];
	v50 =	vmul.f32 v7, v5;
	v51 =	vmul.f32 v8, v6  }
0xad: {  	v53 =	vld [tilespmem:s0+$0x81C0]  }
0xae: {  	v5 =	vmul.f32 v8, v5;
	v6 =	vmul.f32 v7, v6;
	v7 =	vld [tilespmem:s0+$0x41E0];
	v13 =	vadd.f32 v51, v50  }
0xaf: {  	v8 =	vld [tilespmem:s0+$0x8190];
	v54 =	vmul.f32 v11, v9  }
0xb0: {  	v55 =	vld [tilespmem:s0+$0x41B0];
	v5 =	vsub.f32 v5, v6;
	v6 =	vmul.f32 v49, v10;
	v2 =	vmul.f32 v13, v2  }
0xb1: {  	v56 =	vld [tilespmem:s0+$0x81D0];
	v9 =	vmul.f32 v49, v9;
	v10 =	vmul.f32 v11, v10  }
0xb2: {  	v11 =	vld [tilespmem:s0+$0x41F0];
	v5 =	vmul.f32 v5, v53;
	v6 =	vadd.f32 v6, v54;
	v2 =	vadd.f32 $0.0e+00, v2  }
0xb3: {  	v57 =	vld [tilespmem:s0+$0x81A0];
	v58 =	vmul.f32 v52, v0;
	v59 =	vmul.f32 v7, v1  }
0xb4: {  	v60 =	vld [tilespmem:s0+$0x81B0];
	v2 =	vadd.f32 v2, v5;
	v5 =	vmul.f32 v6, v8;
	v6 =	vsub.f32 v9, v10  }
0xb5: {  	s2 =	simm.s32 $0x80;
	v7 =	vmul.f32 v7, v0;
	v8 =	vld [tilespmem:s0+$0x81E0];
	v10 =	vmul.f32 v52, v1  }
0xb6: {  	v0 =	vld [tilespmem:s2+$0x1B0];
	v2 =	vadd.f32 v5, v2;
	v5 =	vmul.f32 v6, v56;
	v6 =	vadd.f32 v59, v58  }
0xb7: {  	v61 =	vmul.f32 v55, v3;
	v62 =	vmul.f32 v11, v4;
	v9 =	vld [tilespmem:s0+$0x81F0]  }
0xb8: {  	v1 =	vld [tilespmem:s2+$0x1F0];
	v7 =	vsub.f32 v7, v10;
	v5 =	vadd.f32 v2, v5;
	v6 =	vmul.f32 v6, v57  }
0xb9: {  	v10 =	vmul.f32 v11, v3;
	v11 =	vmul.f32 v55, v4;
	v3 =	vld [tilespmem:s2+$0x1E0]  }
0xba: {  	v4 =	vld [tilespmem:s2+$0x8180];
	v7 =	vmul.f32 v7, v8;
	v8 =	vadd.f32 v62, v61;
	v6 =	vadd.f32 v6, v5  }
0xbb: {  	v2 =	vld [tilespmem:s2+$0x1A0]  }
0xbc: {  	v10 =	vsub.f32 v10, v11;
	v5 =	vld [tilespmem:s2+$0x180];
	v8 =	vmul.f32 v8, v60;
	v63 =	vadd.f32 v6, v7  }
0xbd: {  	v6 =	vld [tilespmem:s2+$0x1C0]  }
0xbe: {  	s5 =	simm.s32 $0x400;
	v9 =	vmul.f32 v10, v9;
	v7 =	vld [tilespmem:s2+$0x4180];
	v8 =	vadd.f32 v8, v63  }
.LBB2_4:
0xbf: {  	p0 =	sne.s32 s5, $0xFE00;
	v10 =	vld [tilespmem:s2+$0x41C0]  }
0xc0: {  	v11 =	vld [tilespmem:s2+$0x190];
	v8 =	vadd.f32 v8, v9  }
0xc1: {  	v9 =	vld [tilespmem:s2+$0x1D0]  }
0xc2: {  	v12 =	vld [tilespmem:s2+$0x4190];
	[tilespmem:s0+$0xC180] =	vst v8;
	s0 =	smov.u32 s2  }
0xc3: {  	v8 =	vld [tilespmem:s0+$0x41D0]  }
0xc4: {  	v13 =	vmul.f32 v7, v5;
	v14 =	vmul.f32 v10, v6;
	v15 =	vld [tilespmem:s0+$0x41A0]  }
0xc5: {  	v16 =	vld [tilespmem:s0+$0x81C0]  }
0xc6: {  	v5 =	vmul.f32 v10, v5;
	v6 =	vmul.f32 v7, v6;
	v13 =	vadd.f32 v14, v13;
	v7 =	vld [tilespmem:s0+$0x41E0]  }
0xc7: {  	v10 =	vld [tilespmem:s0+$0x8190];
	v14 =	vmul.f32 v12, v11  }
0xc8: {  	v5 =	vsub.f32 v5, v6;
	v4 =	vmul.f32 v13, v4;
	v6 =	vmul.f32 v8, v9;
	v13 =	vld [tilespmem:s0+$0x41B0]  }
0xc9: {  	v8 =	vmul.f32 v8, v11;
	v9 =	vmul.f32 v12, v9;
	v17 =	vld [tilespmem:s0+$0x81D0]  }
0xca: {  	v4 =	vadd.f32 $0.0e+00, v4;
	v5 =	vmul.f32 v5, v16;
	v6 =	vadd.f32 v6, v14;
	v11 =	vld [tilespmem:s0+$0x41F0]  }
0xcb: {  	v14 =	vmul.f32 v15, v2;
	v12 =	vld [tilespmem:s0+$0x81A0];
	v16 =	vmul.f32 v7, v3  }
0xcc: {  	v4 =	vadd.f32 v4, v5;
	v5 =	vmul.f32 v6, v10;
	v6 =	vsub.f32 v8, v9;
	v9 =	vld [tilespmem:s0+$0x81F0]  }
0xcd: {  	v2 =	vmul.f32 v7, v2;
	v3 =	vmul.f32 v15, v3;
	v8 =	vld [tilespmem:s0+$0x81E0]  }
0xce: {  	s2 =	sshra.s32 s5, $0x2;
	v4 =	vadd.f32 v5, v4;
	v5 =	vmul.f32 v6, v17;
	v6 =	vadd.f32 v16, v14;
	v7 =	vld [tilespmem:s0+$0x81B0]  }
0xcf: {  	v14 =	vmul.f32 v13, v0;
	v10 =	vld [tilespmem:s2+$0x1B0];
	v15 =	vmul.f32 v11, v1  }
0xd0: {  	v16 =	vld [tilespmem:s2+$0x1F0];
	v4 =	vadd.f32 v4, v5;
	v5 =	vmul.f32 v6, v12;
	v6 =	vsub.f32 v2, v3  }
0xd1: {  	v17 =	vmul.f32 v11, v0;
	v1 =	vmul.f32 v13, v1;
	v2 =	vld [tilespmem:s2+$0x1A0]  }
.Ltmp1:
0xd2: {  	v3 =	vld [tilespmem:s2+$0x1E0];
	v11 =	vadd.f32 v5, v4;
	v6 =	vmul.f32 v6, v8;
	v8 =	vadd.f32 v15, v14;
	(pc) =	sbr.rel @p0 .LBB2_4-.Ltmp1, $4  }
0xd3: {  	v4 =	vld [tilespmem:s2+$0x8180]  }
0xd4: {  	v12 =	vsub.f32 v17, v1;
	v5 =	vld [tilespmem:s2+$0x180];
	v11 =	vadd.f32 v11, v6;
	v8 =	vmul.f32 v8, v7;
	v0 =	vmovc v10  }
0xd5: {  	v6 =	vld [tilespmem:s2+$0x1C0];
	v1 =	vmov v16  }
0xd6: {  	s5 =	sadd.s32 $0x200, s5;
	v9 =	vmul.f32 v12, v9;
	v7 =	vld [tilespmem:s2+$0x4180];
	v8 =	vadd.f32 v8, v11  }
0xd7: {  	v10 =	vld [tilespmem:s2+$0x41C0]  }
0xd8: {  	v11 =	vld [tilespmem:s2+$0x190];
	v8 =	vadd.f32 v8, v9  }
0xd9: {  	v12 =	vld [tilespmem:s2+$0x4190]  }
0xda: {  	v9 =	vld [tilespmem:s2+$0x1D0];
	[tilespmem:s0+$0xC180] =	vst v8  }
0xdb: {  	v8 =	vld [tilespmem:s2+$0x41D0]  }
0xdc: {  	v13 =	vmul.f32 v7, v5;
	v15 =	vld [tilespmem:s2+$0x41A0];
	v14 =	vmul.f32 v10, v6  }
0xdd: {  	v16 =	vld [tilespmem:s2+$0x81C0]  }
0xde: {  	v5 =	vmul.f32 v10, v5;
	v6 =	vmul.f32 v7, v6;
	v7 =	vld [tilespmem:s2+$0x41E0];
	v13 =	vadd.f32 v14, v13  }
0xdf: {  	v10 =	vld [tilespmem:s2+$0x8190];
	v44 =	vmul.f32 v12, v11  }
0xe0: {  	v45 =	vld [tilespmem:s2+$0x41B0];
	v5 =	vsub.f32 v5, v6;
	v4 =	vmul.f32 v13, v4;
	v6 =	vmul.f32 v8, v9  }
0xe1: {  	v17 =	vld [tilespmem:s2+$0x81D0];
	v8 =	vmul.f32 v8, v11;
	v9 =	vmul.f32 v12, v9  }
0xe2: {  	v46 =	vld [tilespmem:s2+$0x81A0];
	v5 =	vmul.f32 v5, v16;
	v4 =	vadd.f32 $0.0e+00, v4;
	v6 =	vadd.f32 v6, v44  }
0xe3: {  	v11 =	vld [tilespmem:s2+$0x41F0];
	v47 =	vmul.f32 v15, v2;
	v48 =	vmul.f32 v7, v3  }
0xe4: {  	v4 =	vadd.f32 v4, v5;
	v5 =	vmul.f32 v6, v10;
	v6 =	vsub.f32 v8, v9  }
0xe5: {  	v2 =	vmul.f32 v7, v2;
	v3 =	vmul.f32 v15, v3;
	v8 =	vld [tilespmem:s2+$0x81E0]  }
0xe6: {  	v4 =	vadd.f32 v5, v4;
	v5 =	vmul.f32 v6, v17;
	v6 =	vadd.f32 v48, v47  }
0xe7: {  	v7 =	vld [tilespmem:s2+$0x81B0];
	v2 =	vsub.f32 v2, v3;
	v9 =	vmul.f32 v45, v0  }
0xe8: {  	v10 =	vmul.f32 v11, v1;
	v4 =	vadd.f32 v4, v5;
	v5 =	vmul.f32 v6, v46  }
0xe9: {  	v3 =	vld [tilespmem:s2+$0x81F0];
	v0 =	vmul.f32 v11, v0;
	v1 =	vmul.f32 v45, v1  }
0xea: {  	v2 =	vmul.f32 v2, v8;
	v4 =	vadd.f32 v5, v4;
	v5 =	vadd.f32 v10, v9;
	_ =	sdelay $0x1  }
0xeb: {  	v0 =	vsub.f32 v0, v1;
	v2 =	vadd.f32 v4, v2;
	v4 =	vmul.f32 v5, v7;
	_ =	sdelay $0x1  }
0xec: {  	v0 =	vmul.f32 v0, v3;
	v1 =	vadd.f32 v4, v2;
	_ =	sdelay $0x1  }
0xed: {  	v0 =	vadd.f32 v1, v0;
	_ =	sdelay $0x1  }
0xee: {  	s5 =	simm.s32 $0x0;
	[tilespmem:s2+$0xC180] =	vst v0  }
0xef: {  	[hbm4b:s12+s5] =	stream.linear.scatter [tilespmem:s30], [sflag:$0x2], $0x4000, $0x38;
	[tilespmem:$0x10180] =	vst v63  }
0xf0: {  	_ =	swait.ge [sflag:s22], $0x4000  }
0xf1: {  	[sflag:s22] =	ssyncset.done $0x0  }
0xf2: {  	[sflag:s22] =	ssyncadd.s32 $0xFFFFC000  }
0xf3: {  	[tilespmem:s5], [sflag:$0x2] =	stream.linear.gather [hbm4b:s13+s5], $0x80, $0x38;
	[tilespmem:$0x10180] =	vst v63  }
0xf4: {  	_ =	swait.ge [sflag:s22], $0x80  }
0xf5: {  	[sflag:s22] =	ssyncset.done $0x0  }
0xf6: {  	[sflag:s22] =	ssyncadd.s32 $0xFFFFFF80  }
0xf7: {  	[tilespmem:s23], [sflag:$0x2] =	stream.linear.gather [hbm4b:s14+s5], $0x80, $0x38;
	[tilespmem:$0x10180] =	vst v63  }
0xf8: {  	_ =	swait.ge [sflag:s22], $0x80  }
0xf9: {  	[sflag:s22] =	ssyncset.done $0x0  }
0xfa: {  	[sflag:s22] =	ssyncadd.s32 $0xFFFFFF80  }
0xfb: {  	[tilespmem:s24], [sflag:$0x2] =	stream.linear.gather [hbm4b:s15+s5], $0x80, $0x38;
	[tilespmem:$0x10180] =	vst v63  }
0xfc: {  	_ =	swait.ge [sflag:s22], $0x80  }
0xfd: {  	[sflag:s22] =	ssyncset.done $0x0  }
0xfe: {  	[sflag:s22] =	ssyncadd.s32 $0xFFFFFF80  }
0xff: {  	[tilespmem:s25], [sflag:$0x1] =	stream.indirect.gather [hbm4b:s3+s23], $0x80, s5, s23, $0xb8;
	[tilespmem:$0x10180] =	vst v63  }
0x100: {  	_ = 	snop  }
0x101: {  	[tilespmem:s26], [sflag:$0x1] =	stream.indirect.gather [hbm4b:s3+s23], $0x80, s23, s23, $0xb8;
	[tilespmem:$0x10180] =	vst v63  }
0x102: {  	_ = 	snop  }
0x103: {  	[tilespmem:s28], [sflag:$0x1] =	stream.indirect.gather [hbm4b:s4+s23], $0x80, s24, s23, $0xb8;
	[tilespmem:$0x10180] =	vst v63  }
0x104: {  	_ =	swait.ge [sflag:s29], $0x4000  }
0x105: {  	[sflag:s29] =	ssyncset.done $0x0  }
0x106: {  	[sflag:s29] =	ssyncadd.s32 $0xFFFFC000  }
0x107: {  	_ =	swait.ge [sflag:s29], $0x4000  }
0x108: {  	[sflag:s29] =	ssyncset.done $0x0  }
0x109: {  	[sflag:s29] =	ssyncadd.s32 $0xFFFFC000  }
0x10a: {  	_ =	swait.ge [sflag:s29], $0x4000  }
0x10b: {  	[sflag:s29] =	ssyncset.done $0x0  }
0x10c: {  	s0 =	simm.s32 $0x0;
	[sflag:s29] =	ssyncadd.s32 $0xFFFFC000  }
0x10d: {  	v3 =	vld [tilespmem:s0+$0x1B0]  }
0x10e: {  	v4 =	vld [tilespmem:s0+$0x1F0]  }
0x10f: {  	v0 =	vld [tilespmem:s0+$0x1A0]  }
0x110: {  	v1 =	vld [tilespmem:s0+$0x1E0]  }
0x111: {  	v2 =	vld [tilespmem:s0+$0x8180]  }
0x112: {  	v5 =	vld [tilespmem:s0+$0x180]  }
0x113: {  	v6 =	vld [tilespmem:s0+$0x1C0]  }
0x114: {  	v7 =	vld [tilespmem:s0+$0x4180]  }
0x115: {  	v8 =	vld [tilespmem:s0+$0x41C0]  }
0x116: {  	v9 =	vld [tilespmem:s0+$0x190]  }
0x117: {  	v10 =	vld [tilespmem:s0+$0x1D0]  }
0x118: {  	v11 =	vld [tilespmem:s0+$0x4190]  }
0x119: {  	v49 =	vld [tilespmem:s0+$0x41D0]  }
0x11a: {  	v52 =	vld [tilespmem:s0+$0x41A0];
	v50 =	vmul.f32 v7, v5;
	v51 =	vmul.f32 v8, v6  }
0x11b: {  	v53 =	vld [tilespmem:s0+$0x81C0]  }
0x11c: {  	v5 =	vmul.f32 v8, v5;
	v6 =	vmul.f32 v7, v6;
	v7 =	vld [tilespmem:s0+$0x41E0];
	v13 =	vadd.f32 v51, v50  }
0x11d: {  	v8 =	vld [tilespmem:s0+$0x8190];
	v54 =	vmul.f32 v11, v9  }
0x11e: {  	v55 =	vld [tilespmem:s0+$0x41B0];
	v5 =	vsub.f32 v5, v6;
	v6 =	vmul.f32 v49, v10;
	v2 =	vmul.f32 v13, v2  }
0x11f: {  	v56 =	vld [tilespmem:s0+$0x81D0];
	v9 =	vmul.f32 v49, v9;
	v10 =	vmul.f32 v11, v10  }
0x120: {  	v11 =	vld [tilespmem:s0+$0x41F0];
	v5 =	vmul.f32 v5, v53;
	v6 =	vadd.f32 v6, v54;
	v2 =	vadd.f32 $0.0e+00, v2  }
0x121: {  	v57 =	vld [tilespmem:s0+$0x81A0];
	v58 =	vmul.f32 v52, v0;
	v59 =	vmul.f32 v7, v1  }
0x122: {  	v60 =	vld [tilespmem:s0+$0x81B0];
	v2 =	vadd.f32 v2, v5;
	v5 =	vmul.f32 v6, v8;
	v6 =	vsub.f32 v9, v10  }
0x123: {  	s2 =	simm.s32 $0x80;
	v7 =	vmul.f32 v7, v0;
	v8 =	vld [tilespmem:s0+$0x81E0];
	v10 =	vmul.f32 v52, v1  }
0x124: {  	v0 =	vld [tilespmem:s2+$0x1B0];
	v2 =	vadd.f32 v5, v2;
	v5 =	vmul.f32 v6, v56;
	v6 =	vadd.f32 v59, v58  }
0x125: {  	v61 =	vmul.f32 v55, v3;
	v62 =	vmul.f32 v11, v4;
	v9 =	vld [tilespmem:s0+$0x81F0]  }
0x126: {  	v1 =	vld [tilespmem:s2+$0x1F0];
	v7 =	vsub.f32 v7, v10;
	v5 =	vadd.f32 v2, v5;
	v6 =	vmul.f32 v6, v57  }
0x127: {  	v10 =	vmul.f32 v11, v3;
	v11 =	vmul.f32 v55, v4;
	v3 =	vld [tilespmem:s2+$0x1E0]  }
0x128: {  	v4 =	vld [tilespmem:s2+$0x8180];
	v7 =	vmul.f32 v7, v8;
	v8 =	vadd.f32 v62, v61;
	v6 =	vadd.f32 v6, v5  }
0x129: {  	v2 =	vld [tilespmem:s2+$0x1A0]  }
0x12a: {  	v10 =	vsub.f32 v10, v11;
	v5 =	vld [tilespmem:s2+$0x180];
	v8 =	vmul.f32 v8, v60;
	v63 =	vadd.f32 v6, v7  }
0x12b: {  	v6 =	vld [tilespmem:s2+$0x1C0]  }
0x12c: {  	s5 =	simm.s32 $0x400;
	v9 =	vmul.f32 v10, v9;
	v7 =	vld [tilespmem:s2+$0x4180];
	v8 =	vadd.f32 v8, v63  }
.LBB2_6:
0x12d: {  	p0 =	sne.s32 s5, $0xFE00;
	v10 =	vld [tilespmem:s2+$0x41C0]  }
0x12e: {  	v11 =	vld [tilespmem:s2+$0x190];
	v8 =	vadd.f32 v8, v9  }
0x12f: {  	v9 =	vld [tilespmem:s2+$0x1D0]  }
0x130: {  	v12 =	vld [tilespmem:s2+$0x4190];
	[tilespmem:s0+$0xC180] =	vst v8;
	s0 =	smov.u32 s2  }
0x131: {  	v8 =	vld [tilespmem:s0+$0x41D0]  }
0x132: {  	v13 =	vmul.f32 v7, v5;
	v14 =	vmul.f32 v10, v6;
	v15 =	vld [tilespmem:s0+$0x41A0]  }
0x133: {  	v16 =	vld [tilespmem:s0+$0x81C0]  }
0x134: {  	v5 =	vmul.f32 v10, v5;
	v6 =	vmul.f32 v7, v6;
	v13 =	vadd.f32 v14, v13;
	v7 =	vld [tilespmem:s0+$0x41E0]  }
0x135: {  	v10 =	vld [tilespmem:s0+$0x8190];
	v14 =	vmul.f32 v12, v11  }
0x136: {  	v5 =	vsub.f32 v5, v6;
	v4 =	vmul.f32 v13, v4;
	v6 =	vmul.f32 v8, v9;
	v13 =	vld [tilespmem:s0+$0x41B0]  }
0x137: {  	v8 =	vmul.f32 v8, v11;
	v9 =	vmul.f32 v12, v9;
	v17 =	vld [tilespmem:s0+$0x81D0]  }
0x138: {  	v4 =	vadd.f32 $0.0e+00, v4;
	v5 =	vmul.f32 v5, v16;
	v6 =	vadd.f32 v6, v14;
	v11 =	vld [tilespmem:s0+$0x41F0]  }
0x139: {  	v14 =	vmul.f32 v15, v2;
	v12 =	vld [tilespmem:s0+$0x81A0];
	v16 =	vmul.f32 v7, v3  }
0x13a: {  	v4 =	vadd.f32 v4, v5;
	v5 =	vmul.f32 v6, v10;
	v6 =	vsub.f32 v8, v9;
	v9 =	vld [tilespmem:s0+$0x81F0]  }
0x13b: {  	v2 =	vmul.f32 v7, v2;
	v3 =	vmul.f32 v15, v3;
	v8 =	vld [tilespmem:s0+$0x81E0]  }
0x13c: {  	s2 =	sshra.s32 s5, $0x2;
	v4 =	vadd.f32 v5, v4;
	v5 =	vmul.f32 v6, v17;
	v6 =	vadd.f32 v16, v14;
	v7 =	vld [tilespmem:s0+$0x81B0]  }
0x13d: {  	v14 =	vmul.f32 v13, v0;
	v10 =	vld [tilespmem:s2+$0x1B0];
	v15 =	vmul.f32 v11, v1  }
0x13e: {  	v16 =	vld [tilespmem:s2+$0x1F0];
	v4 =	vadd.f32 v4, v5;
	v5 =	vmul.f32 v6, v12;
	v6 =	vsub.f32 v2, v3  }
0x13f: {  	v17 =	vmul.f32 v11, v0;
	v1 =	vmul.f32 v13, v1;
	v2 =	vld [tilespmem:s2+$0x1A0]  }
.Ltmp2:
0x140: {  	v3 =	vld [tilespmem:s2+$0x1E0];
	v11 =	vadd.f32 v5, v4;
	v6 =	vmul.f32 v6, v8;
	v8 =	vadd.f32 v15, v14;
	(pc) =	sbr.rel @p0 .LBB2_6-.Ltmp2, $4  }
0x141: {  	v4 =	vld [tilespmem:s2+$0x8180]  }
0x142: {  	v12 =	vsub.f32 v17, v1;
	v5 =	vld [tilespmem:s2+$0x180];
	v11 =	vadd.f32 v11, v6;
	v8 =	vmul.f32 v8, v7;
	v0 =	vmovc v10  }
0x143: {  	v6 =	vld [tilespmem:s2+$0x1C0];
	v1 =	vmov v16  }
0x144: {  	s5 =	sadd.s32 $0x200, s5;
	v9 =	vmul.f32 v12, v9;
	v7 =	vld [tilespmem:s2+$0x4180];
	v8 =	vadd.f32 v8, v11  }
0x145: {  	v10 =	vld [tilespmem:s2+$0x41C0]  }
0x146: {  	v11 =	vld [tilespmem:s2+$0x190];
	v8 =	vadd.f32 v8, v9  }
0x147: {  	v12 =	vld [tilespmem:s2+$0x4190]  }
0x148: {  	v9 =	vld [tilespmem:s2+$0x1D0];
	[tilespmem:s0+$0xC180] =	vst v8  }
0x149: {  	v8 =	vld [tilespmem:s2+$0x41D0]  }
0x14a: {  	v13 =	vmul.f32 v7, v5;
	v15 =	vld [tilespmem:s2+$0x41A0];
	v14 =	vmul.f32 v10, v6  }
0x14b: {  	v16 =	vld [tilespmem:s2+$0x81C0]  }
0x14c: {  	v5 =	vmul.f32 v10, v5;
	v6 =	vmul.f32 v7, v6;
	v7 =	vld [tilespmem:s2+$0x41E0];
	v13 =	vadd.f32 v14, v13  }
0x14d: {  	v10 =	vld [tilespmem:s2+$0x8190];
	v44 =	vmul.f32 v12, v11  }
0x14e: {  	v45 =	vld [tilespmem:s2+$0x41B0];
	v5 =	vsub.f32 v5, v6;
	v4 =	vmul.f32 v13, v4;
	v6 =	vmul.f32 v8, v9  }
0x14f: {  	v17 =	vld [tilespmem:s2+$0x81D0];
	v8 =	vmul.f32 v8, v11;
	v9 =	vmul.f32 v12, v9  }
0x150: {  	v46 =	vld [tilespmem:s2+$0x81A0];
	v5 =	vmul.f32 v5, v16;
	v4 =	vadd.f32 $0.0e+00, v4;
	v6 =	vadd.f32 v6, v44  }
0x151: {  	v11 =	vld [tilespmem:s2+$0x41F0];
	v47 =	vmul.f32 v15, v2;
	v48 =	vmul.f32 v7, v3  }
0x152: {  	v4 =	vadd.f32 v4, v5;
	v5 =	vmul.f32 v6, v10;
	v6 =	vsub.f32 v8, v9  }
0x153: {  	v2 =	vmul.f32 v7, v2;
	v3 =	vmul.f32 v15, v3;
	v8 =	vld [tilespmem:s2+$0x81E0]  }
0x154: {  	v4 =	vadd.f32 v5, v4;
	v5 =	vmul.f32 v6, v17;
	v6 =	vadd.f32 v48, v47  }
0x155: {  	v7 =	vld [tilespmem:s2+$0x81B0];
	v2 =	vsub.f32 v2, v3;
	v9 =	vmul.f32 v45, v0  }
0x156: {  	v10 =	vmul.f32 v11, v1;
	v4 =	vadd.f32 v4, v5;
	v5 =	vmul.f32 v6, v46  }
0x157: {  	v3 =	vld [tilespmem:s2+$0x81F0];
	v0 =	vmul.f32 v11, v0;
	v1 =	vmul.f32 v45, v1  }
0x158: {  	v2 =	vmul.f32 v2, v8;
	v4 =	vadd.f32 v5, v4;
	v5 =	vadd.f32 v10, v9;
	_ =	sdelay $0x1  }
0x159: {  	v0 =	vsub.f32 v0, v1;
	v2 =	vadd.f32 v4, v2;
	v4 =	vmul.f32 v5, v7;
	_ =	sdelay $0x1  }
0x15a: {  	v0 =	vmul.f32 v0, v3;
	v1 =	vadd.f32 v4, v2;
	_ =	sdelay $0x1  }
0x15b: {  	v0 =	vadd.f32 v1, v0;
	_ =	sdelay $0x1  }
0x15c: {  	s5 =	simm.s32 $0x0;
	[tilespmem:s2+$0xC180] =	vst v0  }
0x15d: {  	[hbm4b:s16+s5] =	stream.linear.scatter [tilespmem:s30], [sflag:$0x2], $0x4000, $0x38;
	[tilespmem:$0x10180] =	vst v63  }
0x15e: {  	_ =	swait.ge [sflag:s22], $0x4000  }
0x15f: {  	[sflag:s22] =	ssyncset.done $0x0  }
0x160: {  	[sflag:s22] =	ssyncadd.s32 $0xFFFFC000  }
0x161: {  	[tilespmem:s5], [sflag:$0x2] =	stream.linear.gather [hbm4b:s17+s5], $0x80, $0x38;
	[tilespmem:$0x10180] =	vst v63  }
0x162: {  	_ =	swait.ge [sflag:s22], $0x80  }
0x163: {  	[sflag:s22] =	ssyncset.done $0x0  }
0x164: {  	[sflag:s22] =	ssyncadd.s32 $0xFFFFFF80  }
0x165: {  	[tilespmem:s23], [sflag:$0x2] =	stream.linear.gather [hbm4b:s18+s5], $0x80, $0x38;
	[tilespmem:$0x10180] =	vst v63  }
0x166: {  	_ =	swait.ge [sflag:s22], $0x80  }
0x167: {  	[sflag:s22] =	ssyncset.done $0x0  }
0x168: {  	[sflag:s22] =	ssyncadd.s32 $0xFFFFFF80  }
0x169: {  	[tilespmem:s24], [sflag:$0x2] =	stream.linear.gather [hbm4b:s19+s5], $0x80, $0x38;
	[tilespmem:$0x10180] =	vst v63  }
0x16a: {  	_ =	swait.ge [sflag:s22], $0x80  }
0x16b: {  	[sflag:s22] =	ssyncset.done $0x0  }
0x16c: {  	[sflag:s22] =	ssyncadd.s32 $0xFFFFFF80  }
0x16d: {  	[tilespmem:s25], [sflag:$0x1] =	stream.indirect.gather [hbm4b:s3+s23], $0x80, s5, s23, $0xb8;
	[tilespmem:$0x10180] =	vst v63  }
0x16e: {  	_ = 	snop  }
0x16f: {  	[tilespmem:s26], [sflag:$0x1] =	stream.indirect.gather [hbm4b:s3+s23], $0x80, s23, s23, $0xb8;
	[tilespmem:$0x10180] =	vst v63  }
0x170: {  	_ = 	snop  }
0x171: {  	[tilespmem:s28], [sflag:$0x1] =	stream.indirect.gather [hbm4b:s4+s23], $0x80, s24, s23, $0xb8;
	[tilespmem:$0x10180] =	vst v63  }
0x172: {  	_ =	swait.ge [sflag:s29], $0x4000  }
0x173: {  	[sflag:s29] =	ssyncset.done $0x0  }
0x174: {  	[sflag:s29] =	ssyncadd.s32 $0xFFFFC000  }
0x175: {  	_ =	swait.ge [sflag:s29], $0x4000  }
0x176: {  	[sflag:s29] =	ssyncset.done $0x0  }
0x177: {  	[sflag:s29] =	ssyncadd.s32 $0xFFFFC000  }
0x178: {  	_ =	swait.ge [sflag:s29], $0x4000  }
0x179: {  	[sflag:s29] =	ssyncset.done $0x0  }
0x17a: {  	s0 =	simm.s32 $0x0;
	[sflag:s29] =	ssyncadd.s32 $0xFFFFC000  }
0x17b: {  	v3 =	vld [tilespmem:s0+$0x1B0]  }
0x17c: {  	v4 =	vld [tilespmem:s0+$0x1F0]  }
0x17d: {  	v0 =	vld [tilespmem:s0+$0x1A0]  }
0x17e: {  	v1 =	vld [tilespmem:s0+$0x1E0]  }
0x17f: {  	v2 =	vld [tilespmem:s0+$0x8180]  }
0x180: {  	v5 =	vld [tilespmem:s0+$0x180]  }
0x181: {  	v6 =	vld [tilespmem:s0+$0x1C0]  }
0x182: {  	v7 =	vld [tilespmem:s0+$0x4180]  }
0x183: {  	v8 =	vld [tilespmem:s0+$0x41C0]  }
0x184: {  	v9 =	vld [tilespmem:s0+$0x190]  }
0x185: {  	v10 =	vld [tilespmem:s0+$0x1D0]  }
0x186: {  	v11 =	vld [tilespmem:s0+$0x4190]  }
0x187: {  	v49 =	vld [tilespmem:s0+$0x41D0]  }
0x188: {  	v52 =	vld [tilespmem:s0+$0x41A0];
	v50 =	vmul.f32 v7, v5;
	v51 =	vmul.f32 v8, v6  }
0x189: {  	v53 =	vld [tilespmem:s0+$0x81C0]  }
0x18a: {  	v5 =	vmul.f32 v8, v5;
	v6 =	vmul.f32 v7, v6;
	v7 =	vld [tilespmem:s0+$0x41E0];
	v13 =	vadd.f32 v51, v50  }
0x18b: {  	v8 =	vld [tilespmem:s0+$0x8190];
	v54 =	vmul.f32 v11, v9  }
0x18c: {  	v55 =	vld [tilespmem:s0+$0x41B0];
	v5 =	vsub.f32 v5, v6;
	v6 =	vmul.f32 v49, v10;
	v2 =	vmul.f32 v13, v2  }
0x18d: {  	v56 =	vld [tilespmem:s0+$0x81D0];
	v9 =	vmul.f32 v49, v9;
	v10 =	vmul.f32 v11, v10  }
0x18e: {  	v11 =	vld [tilespmem:s0+$0x41F0];
	v5 =	vmul.f32 v5, v53;
	v6 =	vadd.f32 v6, v54;
	v2 =	vadd.f32 $0.0e+00, v2  }
0x18f: {  	v57 =	vld [tilespmem:s0+$0x81A0];
	v58 =	vmul.f32 v52, v0;
	v59 =	vmul.f32 v7, v1  }
0x190: {  	v60 =	vld [tilespmem:s0+$0x81B0];
	v2 =	vadd.f32 v2, v5;
	v5 =	vmul.f32 v6, v8;
	v6 =	vsub.f32 v9, v10  }
0x191: {  	s2 =	simm.s32 $0x80;
	v7 =	vmul.f32 v7, v0;
	v8 =	vld [tilespmem:s0+$0x81E0];
	v10 =	vmul.f32 v52, v1  }
0x192: {  	v0 =	vld [tilespmem:s2+$0x1B0];
	v2 =	vadd.f32 v5, v2;
	v5 =	vmul.f32 v6, v56;
	v6 =	vadd.f32 v59, v58  }
0x193: {  	v61 =	vmul.f32 v55, v3;
	v62 =	vmul.f32 v11, v4;
	v9 =	vld [tilespmem:s0+$0x81F0]  }
0x194: {  	v1 =	vld [tilespmem:s2+$0x1F0];
	v7 =	vsub.f32 v7, v10;
	v5 =	vadd.f32 v2, v5;
	v6 =	vmul.f32 v6, v57  }
0x195: {  	v10 =	vmul.f32 v11, v3;
	v11 =	vmul.f32 v55, v4;
	v3 =	vld [tilespmem:s2+$0x1E0]  }
0x196: {  	v4 =	vld [tilespmem:s2+$0x8180];
	v7 =	vmul.f32 v7, v8;
	v8 =	vadd.f32 v62, v61;
	v6 =	vadd.f32 v6, v5  }
0x197: {  	v2 =	vld [tilespmem:s2+$0x1A0]  }
0x198: {  	v10 =	vsub.f32 v10, v11;
	v5 =	vld [tilespmem:s2+$0x180];
	v8 =	vmul.f32 v8, v60;
	v63 =	vadd.f32 v6, v7  }
0x199: {  	v6 =	vld [tilespmem:s2+$0x1C0]  }
0x19a: {  	s5 =	simm.s32 $0x400;
	v9 =	vmul.f32 v10, v9;
	v7 =	vld [tilespmem:s2+$0x4180];
	v8 =	vadd.f32 v8, v63  }
.LBB2_8:
0x19b: {  	p0 =	sne.s32 s5, $0xFE00;
	v10 =	vld [tilespmem:s2+$0x41C0]  }
0x19c: {  	v11 =	vld [tilespmem:s2+$0x190];
	v8 =	vadd.f32 v8, v9  }
0x19d: {  	v9 =	vld [tilespmem:s2+$0x1D0]  }
0x19e: {  	v12 =	vld [tilespmem:s2+$0x4190];
	[tilespmem:s0+$0xC180] =	vst v8;
	s0 =	smov.u32 s2  }
0x19f: {  	v8 =	vld [tilespmem:s0+$0x41D0]  }
0x1a0: {  	v13 =	vmul.f32 v7, v5;
	v14 =	vmul.f32 v10, v6;
	v15 =	vld [tilespmem:s0+$0x41A0]  }
0x1a1: {  	v16 =	vld [tilespmem:s0+$0x81C0]  }
0x1a2: {  	v5 =	vmul.f32 v10, v5;
	v6 =	vmul.f32 v7, v6;
	v13 =	vadd.f32 v14, v13;
	v7 =	vld [tilespmem:s0+$0x41E0]  }
0x1a3: {  	v10 =	vld [tilespmem:s0+$0x8190];
	v14 =	vmul.f32 v12, v11  }
0x1a4: {  	v5 =	vsub.f32 v5, v6;
	v4 =	vmul.f32 v13, v4;
	v6 =	vmul.f32 v8, v9;
	v13 =	vld [tilespmem:s0+$0x41B0]  }
0x1a5: {  	v8 =	vmul.f32 v8, v11;
	v9 =	vmul.f32 v12, v9;
	v17 =	vld [tilespmem:s0+$0x81D0]  }
0x1a6: {  	v4 =	vadd.f32 $0.0e+00, v4;
	v5 =	vmul.f32 v5, v16;
	v6 =	vadd.f32 v6, v14;
	v11 =	vld [tilespmem:s0+$0x41F0]  }
0x1a7: {  	v14 =	vmul.f32 v15, v2;
	v12 =	vld [tilespmem:s0+$0x81A0];
	v16 =	vmul.f32 v7, v3  }
0x1a8: {  	v4 =	vadd.f32 v4, v5;
	v5 =	vmul.f32 v6, v10;
	v6 =	vsub.f32 v8, v9;
	v9 =	vld [tilespmem:s0+$0x81F0]  }
0x1a9: {  	v2 =	vmul.f32 v7, v2;
	v3 =	vmul.f32 v15, v3;
	v8 =	vld [tilespmem:s0+$0x81E0]  }
0x1aa: {  	s2 =	sshra.s32 s5, $0x2;
	v4 =	vadd.f32 v5, v4;
	v5 =	vmul.f32 v6, v17;
	v6 =	vadd.f32 v16, v14;
	v7 =	vld [tilespmem:s0+$0x81B0]  }
0x1ab: {  	v14 =	vmul.f32 v13, v0;
	v10 =	vld [tilespmem:s2+$0x1B0];
	v15 =	vmul.f32 v11, v1  }
0x1ac: {  	v16 =	vld [tilespmem:s2+$0x1F0];
	v4 =	vadd.f32 v4, v5;
	v5 =	vmul.f32 v6, v12;
	v6 =	vsub.f32 v2, v3  }
0x1ad: {  	v17 =	vmul.f32 v11, v0;
	v1 =	vmul.f32 v13, v1;
	v2 =	vld [tilespmem:s2+$0x1A0]  }
.Ltmp3:
0x1ae: {  	v3 =	vld [tilespmem:s2+$0x1E0];
	v11 =	vadd.f32 v5, v4;
	v6 =	vmul.f32 v6, v8;
	v8 =	vadd.f32 v15, v14;
	(pc) =	sbr.rel @p0 .LBB2_8-.Ltmp3, $4  }
0x1af: {  	v4 =	vld [tilespmem:s2+$0x8180]  }
0x1b0: {  	v12 =	vsub.f32 v17, v1;
	v5 =	vld [tilespmem:s2+$0x180];
	v11 =	vadd.f32 v11, v6;
	v8 =	vmul.f32 v8, v7;
	v0 =	vmovc v10  }
0x1b1: {  	v6 =	vld [tilespmem:s2+$0x1C0];
	v1 =	vmov v16  }
0x1b2: {  	s5 =	sadd.s32 $0x200, s5;
	v9 =	vmul.f32 v12, v9;
	v7 =	vld [tilespmem:s2+$0x4180];
	v8 =	vadd.f32 v8, v11  }
0x1b3: {  	v10 =	vld [tilespmem:s2+$0x41C0]  }
0x1b4: {  	v11 =	vld [tilespmem:s2+$0x190];
	v8 =	vadd.f32 v8, v9  }
0x1b5: {  	v35 =	vld [tilespmem:s2+$0x1D0]  }
0x1b6: {  	v12 =	vld [tilespmem:s2+$0x4190];
	[tilespmem:s0+$0xC180] =	vst v8  }
0x1b7: {  	v8 =	vld [tilespmem:s2+$0x41D0]  }
0x1b8: {  	v13 =	vmul.f32 v7, v5;
	v15 =	vld [tilespmem:s2+$0x41A0];
	v14 =	vmul.f32 v10, v6  }
0x1b9: {  	v16 =	vld [tilespmem:s2+$0x81C0]  }
0x1ba: {  	v37 =	vmul.f32 v7, v6;
	v38 =	vld [tilespmem:s2+$0x41E0];
	v36 =	vmul.f32 v10, v5;
	v13 =	vadd.f32 v14, v13  }
0x1bb: {  	v39 =	vld [tilespmem:s2+$0x8190];
	v40 =	vmul.f32 v12, v11  }
0x1bc: {  	v42 =	vld [tilespmem:s2+$0x41B0];
	v5 =	vsub.f32 v36, v37;
	v4 =	vmul.f32 v13, v4;
	v41 =	vmul.f32 v8, v35  }
0x1bd: {  	v17 =	vld [tilespmem:s2+$0x81D0];
	v9 =	vmul.f32 v12, v35;
	v8 =	vmul.f32 v8, v11  }
0x1be: {  	v43 =	vld [tilespmem:s2+$0x41F0];
	v5 =	vmul.f32 v5, v16;
	v4 =	vadd.f32 $0.0e+00, v4;
	v6 =	vadd.f32 v41, v40  }
0x1bf: {  	v44 =	vld [tilespmem:s2+$0x81A0];
	v45 =	vmul.f32 v15, v2;
	v46 =	vmul.f32 v38, v3  }
0x1c0: {  	v48 =	vsub.f32 v8, v9;
	v4 =	vadd.f32 v4, v5;
	v47 =	vmul.f32 v6, v39  }
0x1c1: {  	v49 =	vld [tilespmem:s2+$0x81E0];
	v50 =	vmul.f32 v38, v2;
	v51 =	vmul.f32 v15, v3  }
0x1c2: {  	v53 =	vadd.f32 v46, v45;
	v52 =	vmul.f32 v48, v17;
	v4 =	vadd.f32 v47, v4  }
0x1c3: {  	v54 =	vld [tilespmem:s2+$0x81B0];
	v55 =	vmul.f32 v42, v0;
	v56 =	vmul.f32 v43, v1  }
0x1c4: {  	v2 =	vsub.f32 v50, v51;
	v57 =	vmul.f32 v53, v44;
	v4 =	vadd.f32 v4, v52  }
0x1c5: {  	v58 =	vld [tilespmem:s2+$0x81F0];
	v59 =	vmul.f32 v43, v0;
	v60 =	vmul.f32 v42, v1  }
0x1c6: {  	v61 =	vadd.f32 v56, v55;
	v2 =	vmul.f32 v2, v49;
	v4 =	vadd.f32 v57, v4;
	_ =	sdelay $0x1  }
0x1c7: {  	v0 =	vsub.f32 v59, v60;
	v62 =	vmul.f32 v61, v54;
	v2 =	vadd.f32 v4, v2;
	_ =	sdelay $0x1  }
0x1c8: {  	v0 =	vmul.f32 v0, v58;
	v63 =	vadd.f32 v62, v2;
	_ =	sdelay $0x1  }
0x1c9: {  	s31 =	sadd.s32 $0x1, s31;
	v0 =	vadd.f32 v63, v0  }
0x1ca: {  	p0 =	sne.s32 s31, s21  }
.Ltmp4:
0x1cb: {  	[tilespmem:s2+$0xC180] =	vst v0;
	(pc) =	sbr.rel @p0 .LBB2_1-.Ltmp4, $4  }
0x1cc: {  	[hbm4b:s20+s1] =	stream.linear.scatter [tilespmem:s30], [sflag:$0x2], $0x4000, $0x38;
	[tilespmem:$0x10180] =	vst v63  }
0x1cd: {  	_ =	swait.ge [sflag:s22], $0x4000  }
0x1ce: {  	[sflag:s22] =	ssyncset.done $0x0  }
0x1cf: {  	[sflag:s22] =	ssyncadd.s32 $0xFFFFC000  }
0x1d0: {  	_ =	sfence.sel $0x180000  }
0x1d1: {  	[bflag:$0x0] =	sbarrier.arrive $0xFFFF  }
0x1d2: {  	_ =	strace $0x90000047  }
0x1d3: {  	s0 =	stileid.u32;
	[bflag:$0x2] =	sbarrier.arrive $0xFFFF  }
0x1d4: {  	p0 =	sne.s32 s0, $0x0;
	s0 =	rddreg [dreg:$0x4]  }
0x1d5: {  	s0 =	sadd.s32 @!p0 $0x100000, s0  }
0x1d6: {  	[sflag:s0] =	ssyncadd.tile.s32 @!p0 $0x1;
	_ =	shalt  }
.Lfunc_end2:
_tile_overlayer_lowered:
.L_overlay_start_2:
0x1d7: {  	(tag) =	ssettag $0x2  }
0x1d8: {  	s0 =	rddreg [dreg:$0x0];
	s2 =	stileid.u32  }
0x1d9: {  	s1 =	rddreg [dreg:$0x1];
	p0 =	sne.s32 s2, $0x0  }
0x1da: {  	s3 =	rddreg [dreg:$0x2];
	[bflag:$0x3] =	sbarrier.arrive $0xFFFF;
	s2 =	simm.s32 @!p0 $0x1C02  }
0x1db: {  	[timem:s3], [sflag:s2] =	dma.local @!p0 [hbm:s0], s1  }
0x1dc: {  	s0 =	simm.s32 @!p0 $0x2  }
0x1dd: {  	_ =	swait.ge @!p0 [sflag:s0], s1  }
0x1de: {  	s1 =	ssub.s32 @!p0 $0x0, s1;
	[sflag:s0] =	ssyncset.done @!p0 $0x0  }
0x1df: {  	[sflag:s0] =	ssyncadd.s32 @!p0 s1  }
0x1e0: {  	[bflag:$0x3] =	sbarrier.arrive $0xFFFF  }
0x1e1: {  	_ =	shalt  }

</sc_bundles>
